<compile_context>
chip_gen: v7x
topology: tpu7x:2x2x1
jax: 0.10.2.dev20260603
libtpu: 0.0.44.dev20260713+nightly
codegen_flags: <defaults>
</compile_context>

<pallas_src>
import functools

import jax
import jax.numpy as jnp
from jax import lax
from jax.experimental import pallas as pl
from jax.experimental.pallas import tpu as pltpu
from jax.experimental.pallas import tpu_sc as plsc

B = 16384
C = 1000
NC = 2
NS = 16
NW = NC * NS
BPW = B // NW
BT = 128
NK = BPW // BT
CC = 200
NM = C // CC
NCH = NK * NM

_mesh = plsc.VectorSubcoreMesh(core_axis_name="c", subcore_axis_name="s")


@functools.partial(
    pl.kernel,
    mesh=_mesh,
    out_type=jax.ShapeDtypeStruct((C, B), jnp.float32),
    compiler_params=pltpu.CompilerParams(needs_layout_passes=False),
    scratch_types=[
        pltpu.VMEM((BPW,), jnp.int32),
        pltpu.VMEM((CC, BT), jnp.float32),
        pltpu.VMEM((CC, BT), jnp.float32),
        pltpu.SemaphoreType.DMA,
        pltpu.SemaphoreType.DMA,
    ],
)
def _onehot_sc(in_hbm, out_hbm, idx_v, buf0, buf1, sem0, sem1):
    wid = lax.axis_index("s") * NC + lax.axis_index("c")
    base_col = wid * BPW

    idx_cp = pltpu.async_copy(in_hbm.at[pl.ds(base_col, BPW)], idx_v, sem0)

    lanes = lax.iota(jnp.int32, 16)
    ones = jnp.full((16,), 1.0, jnp.float32)
    zeros = jnp.zeros((16,), jnp.float32)

    def _zero(r, carry):
        for j in range(BT // 16):
            buf0[r, pl.ds(j * 16, 16)] = zeros
            buf1[r, pl.ds(j * 16, 16)] = zeros
        return carry

    lax.fori_loop(0, CC, _zero, 0)
    idx_cp.wait()

    bufs = (buf0, buf1)
    sems = (sem0, sem1)

    def dst(ci):
        k = ci // NM
        m = ci % NM
        c0 = pl.multiple_of(m * CC, 8)
        b0 = pl.multiple_of(base_col + k * BT, 128)
        return out_hbm.at[pl.ds(c0, CC), pl.ds(b0, BT)]

    def scatter(buf, ci, val):
        k = ci // NM
        c0 = (ci % NM) * CC
        for v in range(8):
            cols = idx_v[pl.ds(k * BT + v * 16, 16)]
            local_c = cols - c0
            mask = (local_c >= 0) & (local_c < CC)
            local_c = jnp.where(mask, local_c, 0)
            local_b = lanes + (v * 16)
            plsc.store_scatter(buf, [local_c, local_b], val, mask=mask)

    def _body(c2, carry):
        for b in range(2):
            ci = c2 * 2 + b
            buf, sem = bufs[b], sems[b]

            @pl.when(c2 > 0)
            def _():
                pltpu.make_async_copy(buf, dst(ci), sem).wait()
                scatter(buf, ci - 2, zeros)

            scatter(buf, ci, ones)
            pltpu.async_copy(buf, dst(ci), sem)
        return carry

    lax.fori_loop(0, NCH // 2, _body, 0)

    for b in range(2):
        pltpu.make_async_copy(bufs[b], dst(NCH - 2 + b), sems[b]).wait()


def kernel(inputs):
    out_t = _onehot_sc(inputs.astype(jnp.int32))
    return out_t.T

# --- scband reference (transcript-rebuilt; emitter-appended) ---
"""Pipeline reference for scband-onehot-40656160424522 (READ-ONLY COPY).

The authoritative reference and input builder live on the scoring server;
editing this copy changes nothing except your own understanding.
"""

import jax, jax.numpy as jnp
import numpy as np

NUM_CLASSES = 1000

def setup_inputs(seed: int = 0) -> dict:
    key = jax.random.key(seed)
    inputs = jax.random.randint(key, (16384,), 0, NUM_CLASSES, dtype=jnp.int64 if jax.config.jax_enable_x64 else jnp.int32)
    return {"inputs": inputs}

def reference(inputs) -> jnp.ndarray:
    # Faithful translation of the CUDA onehot kernel: scatter 1.0 into the class
    # position for each index. Equivalent to a scatter-overwrite:
    #   out = zeros([B, C]); out[i, inputs[i]] = 1.0
    B = inputs.shape[0]
    out = jnp.zeros((B, NUM_CLASSES), dtype=jnp.float32)
    rows = jnp.arange(B)
    out = out.at[rows, inputs].set(1.0)
    return out

if __name__ == "__main__":
    import jax
    _d = setup_inputs()
    print(jax.jit(kernel)(*tuple(_d.values())))

</pallas_src>

<mosaic_0001>
#map = affine_map<(d0, d1) -> (0)>
#map1 = affine_map<(d0, d1) -> (0, 0)>
module attributes {stable_mosaic.version = 14 : i64} {
  func.func @_onehot_sc(%arg0: i32, %arg1: i32, %arg2: memref<16384xi32, #tpu.memory_space<hbm>>, %arg3: memref<1000x16384xf32, #tpu.memory_space<hbm>>, %arg4: memref<512xi32, #tpu.memory_space<vmem>>, %arg5: memref<200x128xf32, #tpu.memory_space<vmem>>, %arg6: memref<200x128xf32, #tpu.memory_space<vmem>>, %arg7: memref<!tpu.dma_semaphore, #tpu.memory_space<semaphore_mem>>, %arg8: memref<!tpu.dma_semaphore, #tpu.memory_space<semaphore_mem>>) attributes {dimension_semantics = [#tpu.dimension_semantics<core_parallel>, #tpu.dimension_semantics<subcore_parallel>], iteration_bounds = array<i64: 2, 16>, scalar_prefetch = 0 : i64, scratch_operands = 5 : i64, tpu.core_type = #tpu.core_type<sc_vector_subcore>, window_params = [{transform_indices = #map}, {transform_indices = #map1}]} {
    %mul3A = arith.constant 2 : i32
    %mul3A_0 = arith.muli %arg1, %mul3A : i32
    %add3A = arith.addi %mul3A_0, %arg0 : i32
    %mul3A_1 = arith.constant 512 : i32
    %mul3A_2 = arith.muli %add3A, %mul3A_1 : i32
    %dma_start3A = tpu.memref_slice %arg2[%mul3A_2] : memref<16384xi32, #tpu.memory_space<hbm>> -> memref<512xi32, #tpu.memory_space<hbm>>
    %dma_start3A_3 = tpu.memref_slice %arg2[%mul3A_2] : memref<16384xi32, #tpu.memory_space<hbm>> -> memref<512xi32, #tpu.memory_space<hbm>>
    tpu.enqueue_dma source(%dma_start3A_3 : memref<512xi32, #tpu.memory_space<hbm>>) target(%arg4 : memref<512xi32, #tpu.memory_space<vmem>>) target_semaphore(%arg7 : memref<!tpu.dma_semaphore, #tpu.memory_space<semaphore_mem>>)
    %iota3A = tpu.iota {dimensions = array<i32: 0>} : vector<16xi32>
    %broadcast_in_dim3A = arith.constant 1.000000e+00 : f32
    %broadcast_in_dim3A_4 = vector.broadcast %broadcast_in_dim3A : f32 to vector<16xf32>
    %broadcast_in_dim3A_5 = arith.constant 0.000000e+00 : f32
    %broadcast_in_dim3A_6 = vector.broadcast %broadcast_in_dim3A_5 : f32 to vector<16xf32>
    %scan3A = arith.constant 0 : i32
    %scan3A_7 = arith.constant 0 : i32
    %scan3A_8 = arith.constant 200 : i32
    %scan3A_9 = arith.addi %scan3A_7, %scan3A_8 : i32
    %scan3A_10 = arith.constant 1 : i32
    scf.for %scan3A_32 = %scan3A_7 to %scan3A_9 step %scan3A_10  : i32 {
      %swap3A = arith.index_cast %scan3A_32 : i32 to index
      %swap3A_33 = arith.constant 0 : index
      %swap3A_34 = tpu.vector_load %arg5[%swap3A, %swap3A_33] {strides = array<i32>} : memref<200x128xf32, #tpu.memory_space<vmem>>, vector<16xf32>,
      tpu.vector_store %arg5[%swap3A, %swap3A_33], %broadcast_in_dim3A_6 {strides = array<i32>} : memref<200x128xf32, #tpu.memory_space<vmem>>, vector<16xf32>,
      %swap3A_35 = arith.index_cast %scan3A_32 : i32 to index
      %swap3A_36 = arith.constant 0 : index
      %swap3A_37 = tpu.vector_load %arg6[%swap3A_35, %swap3A_36] {strides = array<i32>} : memref<200x128xf32, #tpu.memory_space<vmem>>, vector<16xf32>,
      tpu.vector_store %arg6[%swap3A_35, %swap3A_36], %broadcast_in_dim3A_6 {strides = array<i32>} : memref<200x128xf32, #tpu.memory_space<vmem>>, vector<16xf32>,
      %swap3A_38 = arith.index_cast %scan3A_32 : i32 to index
      %swap3A_39 = arith.constant 16 : index
      %swap3A_40 = tpu.vector_load %arg5[%swap3A_38, %swap3A_39] {strides = array<i32>} : memref<200x128xf32, #tpu.memory_space<vmem>>, vector<16xf32>,
      tpu.vector_store %arg5[%swap3A_38, %swap3A_39], %broadcast_in_dim3A_6 {strides = array<i32>} : memref<200x128xf32, #tpu.memory_space<vmem>>, vector<16xf32>,
      %swap3A_41 = arith.index_cast %scan3A_32 : i32 to index
      %swap3A_42 = arith.constant 16 : index
      %swap3A_43 = tpu.vector_load %arg6[%swap3A_41, %swap3A_42] {strides = array<i32>} : memref<200x128xf32, #tpu.memory_space<vmem>>, vector<16xf32>,
      tpu.vector_store %arg6[%swap3A_41, %swap3A_42], %broadcast_in_dim3A_6 {strides = array<i32>} : memref<200x128xf32, #tpu.memory_space<vmem>>, vector<16xf32>,
      %swap3A_44 = arith.index_cast %scan3A_32 : i32 to index
      %swap3A_45 = arith.constant 32 : index
      %swap3A_46 = tpu.vector_load %arg5[%swap3A_44, %swap3A_45] {strides = array<i32>} : memref<200x128xf32, #tpu.memory_space<vmem>>, vector<16xf32>,
      tpu.vector_store %arg5[%swap3A_44, %swap3A_45], %broadcast_in_dim3A_6 {strides = array<i32>} : memref<200x128xf32, #tpu.memory_space<vmem>>, vector<16xf32>,
      %swap3A_47 = arith.index_cast %scan3A_32 : i32 to index
      %swap3A_48 = arith.constant 32 : index
      %swap3A_49 = tpu.vector_load %arg6[%swap3A_47, %swap3A_48] {strides = array<i32>} : memref<200x128xf32, #tpu.memory_space<vmem>>, vector<16xf32>,
      tpu.vector_store %arg6[%swap3A_47, %swap3A_48], %broadcast_in_dim3A_6 {strides = array<i32>} : memref<200x128xf32, #tpu.memory_space<vmem>>, vector<16xf32>,
      %swap3A_50 = arith.index_cast %scan3A_32 : i32 to index
      %swap3A_51 = arith.constant 48 : index
      %swap3A_52 = tpu.vector_load %arg5[%swap3A_50, %swap3A_51] {strides = array<i32>} : memref<200x128xf32, #tpu.memory_space<vmem>>, vector<16xf32>,
      tpu.vector_store %arg5[%swap3A_50, %swap3A_51], %broadcast_in_dim3A_6 {strides = array<i32>} : memref<200x128xf32, #tpu.memory_space<vmem>>, vector<16xf32>,
      %swap3A_53 = arith.index_cast %scan3A_32 : i32 to index
      %swap3A_54 = arith.constant 48 : index
      %swap3A_55 = tpu.vector_load %arg6[%swap3A_53, %swap3A_54] {strides = array<i32>} : memref<200x128xf32, #tpu.memory_space<vmem>>, vector<16xf32>,
      tpu.vector_store %arg6[%swap3A_53, %swap3A_54], %broadcast_in_dim3A_6 {strides = array<i32>} : memref<200x128xf32, #tpu.memory_space<vmem>>, vector<16xf32>,
      %swap3A_56 = arith.index_cast %scan3A_32 : i32 to index
      %swap3A_57 = arith.constant 64 : index
      %swap3A_58 = tpu.vector_load %arg5[%swap3A_56, %swap3A_57] {strides = array<i32>} : memref<200x128xf32, #tpu.memory_space<vmem>>, vector<16xf32>,
      tpu.vector_store %arg5[%swap3A_56, %swap3A_57], %broadcast_in_dim3A_6 {strides = array<i32>} : memref<200x128xf32, #tpu.memory_space<vmem>>, vector<16xf32>,
      %swap3A_59 = arith.index_cast %scan3A_32 : i32 to index
      %swap3A_60 = arith.constant 64 : index
      %swap3A_61 = tpu.vector_load %arg6[%swap3A_59, %swap3A_60] {strides = array<i32>} : memref<200x128xf32, #tpu.memory_space<vmem>>, vector<16xf32>,
      tpu.vector_store %arg6[%swap3A_59, %swap3A_60], %broadcast_in_dim3A_6 {strides = array<i32>} : memref<200x128xf32, #tpu.memory_space<vmem>>, vector<16xf32>,
      %swap3A_62 = arith.index_cast %scan3A_32 : i32 to index
      %swap3A_63 = arith.constant 80 : index
      %swap3A_64 = tpu.vector_load %arg5[%swap3A_62, %swap3A_63] {strides = array<i32>} : memref<200x128xf32, #tpu.memory_space<vmem>>, vector<16xf32>,
      tpu.vector_store %arg5[%swap3A_62, %swap3A_63], %broadcast_in_dim3A_6 {strides = array<i32>} : memref<200x128xf32, #tpu.memory_space<vmem>>, vector<16xf32>,
      %swap3A_65 = arith.index_cast %scan3A_32 : i32 to index
      %swap3A_66 = arith.constant 80 : index
      %swap3A_67 = tpu.vector_load %arg6[%swap3A_65, %swap3A_66] {strides = array<i32>} : memref<200x128xf32, #tpu.memory_space<vmem>>, vector<16xf32>,
      tpu.vector_store %arg6[%swap3A_65, %swap3A_66], %broadcast_in_dim3A_6 {strides = array<i32>} : memref<200x128xf32, #tpu.memory_space<vmem>>, vector<16xf32>,
      %swap3A_68 = arith.index_cast %scan3A_32 : i32 to index
      %swap3A_69 = arith.constant 96 : index
      %swap3A_70 = tpu.vector_load %arg5[%swap3A_68, %swap3A_69] {strides = array<i32>} : memref<200x128xf32, #tpu.memory_space<vmem>>, vector<16xf32>,
      tpu.vector_store %arg5[%swap3A_68, %swap3A_69], %broadcast_in_dim3A_6 {strides = array<i32>} : memref<200x128xf32, #tpu.memory_space<vmem>>, vector<16xf32>,
      %swap3A_71 = arith.index_cast %scan3A_32 : i32 to index
      %swap3A_72 = arith.constant 96 : index
      %swap3A_73 = tpu.vector_load %arg6[%swap3A_71, %swap3A_72] {strides = array<i32>} : memref<200x128xf32, #tpu.memory_space<vmem>>, vector<16xf32>,
      tpu.vector_store %arg6[%swap3A_71, %swap3A_72], %broadcast_in_dim3A_6 {strides = array<i32>} : memref<200x128xf32, #tpu.memory_space<vmem>>, vector<16xf32>,
      %swap3A_74 = arith.index_cast %scan3A_32 : i32 to index
      %swap3A_75 = arith.constant 112 : index
      %swap3A_76 = tpu.vector_load %arg5[%swap3A_74, %swap3A_75] {strides = array<i32>} : memref<200x128xf32, #tpu.memory_space<vmem>>, vector<16xf32>,
      tpu.vector_store %arg5[%swap3A_74, %swap3A_75], %broadcast_in_dim3A_6 {strides = array<i32>} : memref<200x128xf32, #tpu.memory_space<vmem>>, vector<16xf32>,
      %swap3A_77 = arith.index_cast %scan3A_32 : i32 to index
      %swap3A_78 = arith.constant 112 : index
      %swap3A_79 = tpu.vector_load %arg6[%swap3A_77, %swap3A_78] {strides = array<i32>} : memref<200x128xf32, #tpu.memory_space<vmem>>, vector<16xf32>,
      tpu.vector_store %arg6[%swap3A_77, %swap3A_78], %broadcast_in_dim3A_6 {strides = array<i32>} : memref<200x128xf32, #tpu.memory_space<vmem>>, vector<16xf32>,
    }
    %scan3A_11 = arith.constant 200 : i32
    %dma_wait3A = tpu.memref_slice %arg2[%mul3A_2] : memref<16384xi32, #tpu.memory_space<hbm>> -> memref<512xi32, #tpu.memory_space<hbm>>
    %dma_wait3A_12 = tpu.memref_slice %arg2[%mul3A_2] : memref<16384xi32, #tpu.memory_space<hbm>> -> memref<512xi32, #tpu.memory_space<hbm>>
    tpu.wait_dma2 semaphore(%arg7 : memref<!tpu.dma_semaphore, #tpu.memory_space<semaphore_mem>>) src(%dma_wait3A_12 : memref<512xi32, #tpu.memory_space<hbm>>) dst(%arg4 : memref<512xi32, #tpu.memory_space<vmem>>)
    %scan3A_13 = arith.constant 0 : i32
    %scan3A_14 = arith.constant 0 : i32
    %scan3A_15 = arith.constant 10 : i32
    %scan3A_16 = arith.addi %scan3A_14, %scan3A_15 : i32
    %scan3A_17 = arith.constant 1 : i32
    scf.for %scan3A_32 = %scan3A_14 to %scan3A_16 step %scan3A_17  : i32 {
      %mul3A_33 = arith.constant 2 : i32
      %mul3A_34 = arith.muli %scan3A_32, %mul3A_33 : i32
      %add3A_35 = arith.constant 0 : i32
      %add3A_36 = arith.addi %mul3A_34, %add3A_35 : i32
      %gt3A = arith.constant 0 : i32
      %gt3A_37 = arith.cmpi sgt, %scan3A_32, %gt3A : i32
      %convert_element_type3A = arith.extui %gt3A_37 : i1 to i32
      %cond3A = arith.constant 0 : i32
      %cond3A_38 = arith.cmpi ne, %convert_element_type3A, %cond3A : i32
      scf.if %cond3A_38 {
        %jit3A_554 = arith.constant 5 : i32
        %div3A_555 = arith.divsi %add3A_36, %jit3A_554 : i32
        %sign3A_556 = arith.constant 0 : i32
        %sign3A_557 = arith.cmpi sgt, %add3A_36, %sign3A_556 : i32
        %sign3A_558 = arith.extui %sign3A_557 : i1 to i32
        %sign3A_559 = arith.constant 0 : i32
        %sign3A_560 = arith.cmpi slt, %add3A_36, %sign3A_559 : i32
        %sign3A_561 = arith.extui %sign3A_560 : i1 to i32
        %sign3A_562 = arith.subi %sign3A_558, %sign3A_561 : i32
        %sign3A_563 = arith.constant 0 : i32
        %sign3A_564 = arith.cmpi sgt, %jit3A_554, %sign3A_563 : i32
        %sign3A_565 = arith.extui %sign3A_564 : i1 to i32
        %sign3A_566 = arith.constant 0 : i32
        %sign3A_567 = arith.cmpi slt, %jit3A_554, %sign3A_566 : i32
        %sign3A_568 = arith.extui %sign3A_567 : i1 to i32
        %sign3A_569 = arith.subi %sign3A_565, %sign3A_568 : i32
        %ne3A_570 = arith.cmpi ne, %sign3A_562, %sign3A_569 : i32
        %rem3A_571 = arith.remsi %add3A_36, %jit3A_554 : i32
        %ne3A_572 = arith.constant 0 : i32
        %ne3A_573 = arith.cmpi ne, %rem3A_571, %ne3A_572 : i32
        %and3A_574 = arith.andi %ne3A_570, %ne3A_573 : i1
        %sub3A_575 = arith.constant 1 : i32
        %sub3A_576 = arith.subi %div3A_555, %sub3A_575 : i32
        %select_n3A_577 = arith.select %and3A_574, %sub3A_576, %div3A_555 : i32
        %jit3A_578 = arith.constant 5 : i32
        %eq3A_579 = arith.constant 0 : i32
        %eq3A_580 = arith.cmpi eq, %jit3A_578, %eq3A_579 : i32
        %jit3A_581 = arith.constant 1 : i32
        %select_n3A_582 = arith.select %eq3A_580, %jit3A_581, %jit3A_578 : i32
        %rem3A_583 = arith.remsi %add3A_36, %select_n3A_582 : i32
        %ne3A_584 = arith.constant 0 : i32
        %ne3A_585 = arith.cmpi ne, %rem3A_583, %ne3A_584 : i32
        %lt3A_586 = arith.constant 0 : i32
        %lt3A_587 = arith.cmpi slt, %rem3A_583, %lt3A_586 : i32
        %lt3A_588 = arith.constant 0 : i32
        %lt3A_589 = arith.cmpi slt, %select_n3A_582, %lt3A_588 : i32
        %ne3A_590 = arith.xori %lt3A_587, %lt3A_589 : i1
        %and3A_591 = arith.andi %ne3A_590, %ne3A_585 : i1
        %add3A_592 = arith.addi %rem3A_583, %select_n3A_582 : i32
        %select_n3A_593 = arith.select %and3A_591, %add3A_592, %rem3A_583 : i32
        %mul3A_594 = arith.constant 200 : i32
        %mul3A_595 = arith.muli %select_n3A_593, %mul3A_594 : i32
        %multiple_of3A_596 = tpu.assume_multiple %mul3A_595, 8 : i32
        %mul3A_597 = arith.constant 128 : i32
        %mul3A_598 = arith.muli %select_n3A_577, %mul3A_597 : i32
        %add3A_599 = arith.addi %mul3A_2, %mul3A_598 : i32
        %multiple_of3A_600 = tpu.assume_multiple %add3A_599, 128 : i32
        %dma_wait3A_601 = tpu.memref_slice %arg3[%multiple_of3A_596, %multiple_of3A_600] : memref<1000x16384xf32, #tpu.memory_space<hbm>> -> memref<200x128xf32, #tpu.memory_space<hbm>>
        %dma_wait3A_602 = tpu.memref_slice %arg3[%multiple_of3A_596, %multiple_of3A_600] : memref<1000x16384xf32, #tpu.memory_space<hbm>> -> memref<200x128xf32, #tpu.memory_space<hbm>>
        tpu.wait_dma2 semaphore(%arg7 : memref<!tpu.dma_semaphore, #tpu.memory_space<semaphore_mem>>) src(%arg5 : memref<200x128xf32, #tpu.memory_space<vmem>>) dst(%dma_wait3A_602 : memref<200x128xf32, #tpu.memory_space<hbm>>)
        %sub3A_603 = arith.constant 2 : i32
        %sub3A_604 = arith.subi %add3A_36, %sub3A_603 : i32
        %jit3A_605 = arith.constant 5 : i32
        %div3A_606 = arith.divsi %sub3A_604, %jit3A_605 : i32
        %sign3A_607 = arith.constant 0 : i32
        %sign3A_608 = arith.cmpi sgt, %sub3A_604, %sign3A_607 : i32
        %sign3A_609 = arith.extui %sign3A_608 : i1 to i32
        %sign3A_610 = arith.constant 0 : i32
        %sign3A_611 = arith.cmpi slt, %sub3A_604, %sign3A_610 : i32
        %sign3A_612 = arith.extui %sign3A_611 : i1 to i32
        %sign3A_613 = arith.subi %sign3A_609, %sign3A_612 : i32
        %sign3A_614 = arith.constant 0 : i32
        %sign3A_615 = arith.cmpi sgt, %jit3A_605, %sign3A_614 : i32
        %sign3A_616 = arith.extui %sign3A_615 : i1 to i32
        %sign3A_617 = arith.constant 0 : i32
        %sign3A_618 = arith.cmpi slt, %jit3A_605, %sign3A_617 : i32
        %sign3A_619 = arith.extui %sign3A_618 : i1 to i32
        %sign3A_620 = arith.subi %sign3A_616, %sign3A_619 : i32
        %ne3A_621 = arith.cmpi ne, %sign3A_613, %sign3A_620 : i32
        %rem3A_622 = arith.remsi %sub3A_604, %jit3A_605 : i32
        %ne3A_623 = arith.constant 0 : i32
        %ne3A_624 = arith.cmpi ne, %rem3A_622, %ne3A_623 : i32
        %and3A_625 = arith.andi %ne3A_621, %ne3A_624 : i1
        %sub3A_626 = arith.constant 1 : i32
        %sub3A_627 = arith.subi %div3A_606, %sub3A_626 : i32
        %select_n3A_628 = arith.select %and3A_625, %sub3A_627, %div3A_606 : i32
        %jit3A_629 = arith.constant 5 : i32
        %eq3A_630 = arith.constant 0 : i32
        %eq3A_631 = arith.cmpi eq, %jit3A_629, %eq3A_630 : i32
        %jit3A_632 = arith.constant 1 : i32
        %select_n3A_633 = arith.select %eq3A_631, %jit3A_632, %jit3A_629 : i32
        %rem3A_634 = arith.remsi %sub3A_604, %select_n3A_633 : i32
        %ne3A_635 = arith.constant 0 : i32
        %ne3A_636 = arith.cmpi ne, %rem3A_634, %ne3A_635 : i32
        %lt3A_637 = arith.constant 0 : i32
        %lt3A_638 = arith.cmpi slt, %rem3A_634, %lt3A_637 : i32
        %lt3A_639 = arith.constant 0 : i32
        %lt3A_640 = arith.cmpi slt, %select_n3A_633, %lt3A_639 : i32
        %ne3A_641 = arith.xori %lt3A_638, %lt3A_640 : i1
        %and3A_642 = arith.andi %ne3A_641, %ne3A_636 : i1
        %add3A_643 = arith.addi %rem3A_634, %select_n3A_633 : i32
        %select_n3A_644 = arith.select %and3A_642, %add3A_643, %rem3A_634 : i32
        %mul3A_645 = arith.constant 200 : i32
        %mul3A_646 = arith.muli %select_n3A_644, %mul3A_645 : i32
        %mul3A_647 = arith.constant 128 : i32
        %mul3A_648 = arith.muli %select_n3A_628, %mul3A_647 : i32
        %add3A_649 = arith.constant 0 : i32
        %add3A_650 = arith.addi %mul3A_648, %add3A_649 : i32
        %get3A_651 = arith.index_cast %add3A_650 : i32 to index
        %get3A_652 = tpu.vector_load %arg4[%get3A_651] {strides = array<i32>} : memref<512xi32, #tpu.memory_space<vmem>>, vector<16xi32>,
        %sub3A_653 = vector.broadcast %mul3A_646 : i32 to vector<16xi32>
        %sub3A_654 = arith.subi %get3A_652, %sub3A_653 : vector<16xi32>
        %ge3A_655 = arith.constant 0 : i32
        %ge3A_656 = vector.broadcast %ge3A_655 : i32 to vector<16xi32>
        %ge3A_657 = arith.cmpi sge, %sub3A_654, %ge3A_656 : vector<16xi32>
        %lt3A_658 = arith.constant 200 : i32
        %lt3A_659 = vector.broadcast %lt3A_658 : i32 to vector<16xi32>
        %lt3A_660 = arith.cmpi slt, %sub3A_654, %lt3A_659 : vector<16xi32>
        %and3A_661 = arith.andi %ge3A_657, %lt3A_660 : vector<16xi1>
        %jit3A_662 = arith.constant 0 : i32
        %broadcast_in_dim3A_663 = vector.broadcast %jit3A_662 : i32 to vector<16xi32>
        %select_n3A_664 = arith.select %and3A_661, %sub3A_654, %broadcast_in_dim3A_663 : vector<16xi1>, vector<16xi32>
        %add3A_665 = arith.constant 0 : i32
        %add3A_666 = vector.broadcast %add3A_665 : i32 to vector<16xi32>
        %add3A_667 = arith.addi %iota3A, %add3A_666 : vector<16xi32>
        tpu.vector_store_idx %arg5[%select_n3A_664, %add3A_667], %broadcast_in_dim3A_6 masked %and3A_661 : memref<200x128xf32, #tpu.memory_space<vmem>>[vector<16xi32>, vector<16xi32>], vector<16xf32>, vector<16xi1>
        %mul3A_668 = arith.constant 128 : i32
        %mul3A_669 = arith.muli %select_n3A_628, %mul3A_668 : i32
        %add3A_670 = arith.constant 16 : i32
        %add3A_671 = arith.addi %mul3A_669, %add3A_670 : i32
        %get3A_672 = arith.index_cast %add3A_671 : i32 to index
        %get3A_673 = tpu.vector_load %arg4[%get3A_672] {strides = array<i32>} : memref<512xi32, #tpu.memory_space<vmem>>, vector<16xi32>,
        %sub3A_674 = vector.broadcast %mul3A_646 : i32 to vector<16xi32>
        %sub3A_675 = arith.subi %get3A_673, %sub3A_674 : vector<16xi32>
        %ge3A_676 = arith.constant 0 : i32
        %ge3A_677 = vector.broadcast %ge3A_676 : i32 to vector<16xi32>
        %ge3A_678 = arith.cmpi sge, %sub3A_675, %ge3A_677 : vector<16xi32>
        %lt3A_679 = arith.constant 200 : i32
        %lt3A_680 = vector.broadcast %lt3A_679 : i32 to vector<16xi32>
        %lt3A_681 = arith.cmpi slt, %sub3A_675, %lt3A_680 : vector<16xi32>
        %and3A_682 = arith.andi %ge3A_678, %lt3A_681 : vector<16xi1>
        %jit3A_683 = arith.constant 0 : i32
        %broadcast_in_dim3A_684 = vector.broadcast %jit3A_683 : i32 to vector<16xi32>
        %select_n3A_685 = arith.select %and3A_682, %sub3A_675, %broadcast_in_dim3A_684 : vector<16xi1>, vector<16xi32>
        %add3A_686 = arith.constant 16 : i32
        %add3A_687 = vector.broadcast %add3A_686 : i32 to vector<16xi32>
        %add3A_688 = arith.addi %iota3A, %add3A_687 : vector<16xi32>
        tpu.vector_store_idx %arg5[%select_n3A_685, %add3A_688], %broadcast_in_dim3A_6 masked %and3A_682 : memref<200x128xf32, #tpu.memory_space<vmem>>[vector<16xi32>, vector<16xi32>], vector<16xf32>, vector<16xi1>
        %mul3A_689 = arith.constant 128 : i32
        %mul3A_690 = arith.muli %select_n3A_628, %mul3A_689 : i32
        %add3A_691 = arith.constant 32 : i32
        %add3A_692 = arith.addi %mul3A_690, %add3A_691 : i32
        %get3A_693 = arith.index_cast %add3A_692 : i32 to index
        %get3A_694 = tpu.vector_load %arg4[%get3A_693] {strides = array<i32>} : memref<512xi32, #tpu.memory_space<vmem>>, vector<16xi32>,
        %sub3A_695 = vector.broadcast %mul3A_646 : i32 to vector<16xi32>
        %sub3A_696 = arith.subi %get3A_694, %sub3A_695 : vector<16xi32>
        %ge3A_697 = arith.constant 0 : i32
        %ge3A_698 = vector.broadcast %ge3A_697 : i32 to vector<16xi32>
        %ge3A_699 = arith.cmpi sge, %sub3A_696, %ge3A_698 : vector<16xi32>
        %lt3A_700 = arith.constant 200 : i32
        %lt3A_701 = vector.broadcast %lt3A_700 : i32 to vector<16xi32>
        %lt3A_702 = arith.cmpi slt, %sub3A_696, %lt3A_701 : vector<16xi32>
        %and3A_703 = arith.andi %ge3A_699, %lt3A_702 : vector<16xi1>
        %jit3A_704 = arith.constant 0 : i32
        %broadcast_in_dim3A_705 = vector.broadcast %jit3A_704 : i32 to vector<16xi32>
        %select_n3A_706 = arith.select %and3A_703, %sub3A_696, %broadcast_in_dim3A_705 : vector<16xi1>, vector<16xi32>
        %add3A_707 = arith.constant 32 : i32
        %add3A_708 = vector.broadcast %add3A_707 : i32 to vector<16xi32>
        %add3A_709 = arith.addi %iota3A, %add3A_708 : vector<16xi32>
        tpu.vector_store_idx %arg5[%select_n3A_706, %add3A_709], %broadcast_in_dim3A_6 masked %and3A_703 : memref<200x128xf32, #tpu.memory_space<vmem>>[vector<16xi32>, vector<16xi32>], vector<16xf32>, vector<16xi1>
        %mul3A_710 = arith.constant 128 : i32
        %mul3A_711 = arith.muli %select_n3A_628, %mul3A_710 : i32
        %add3A_712 = arith.constant 48 : i32
        %add3A_713 = arith.addi %mul3A_711, %add3A_712 : i32
        %get3A_714 = arith.index_cast %add3A_713 : i32 to index
        %get3A_715 = tpu.vector_load %arg4[%get3A_714] {strides = array<i32>} : memref<512xi32, #tpu.memory_space<vmem>>, vector<16xi32>,
        %sub3A_716 = vector.broadcast %mul3A_646 : i32 to vector<16xi32>
        %sub3A_717 = arith.subi %get3A_715, %sub3A_716 : vector<16xi32>
        %ge3A_718 = arith.constant 0 : i32
        %ge3A_719 = vector.broadcast %ge3A_718 : i32 to vector<16xi32>
        %ge3A_720 = arith.cmpi sge, %sub3A_717, %ge3A_719 : vector<16xi32>
        %lt3A_721 = arith.constant 200 : i32
        %lt3A_722 = vector.broadcast %lt3A_721 : i32 to vector<16xi32>
        %lt3A_723 = arith.cmpi slt, %sub3A_717, %lt3A_722 : vector<16xi32>
        %and3A_724 = arith.andi %ge3A_720, %lt3A_723 : vector<16xi1>
        %jit3A_725 = arith.constant 0 : i32
        %broadcast_in_dim3A_726 = vector.broadcast %jit3A_725 : i32 to vector<16xi32>
        %select_n3A_727 = arith.select %and3A_724, %sub3A_717, %broadcast_in_dim3A_726 : vector<16xi1>, vector<16xi32>
        %add3A_728 = arith.constant 48 : i32
        %add3A_729 = vector.broadcast %add3A_728 : i32 to vector<16xi32>
        %add3A_730 = arith.addi %iota3A, %add3A_729 : vector<16xi32>
        tpu.vector_store_idx %arg5[%select_n3A_727, %add3A_730], %broadcast_in_dim3A_6 masked %and3A_724 : memref<200x128xf32, #tpu.memory_space<vmem>>[vector<16xi32>, vector<16xi32>], vector<16xf32>, vector<16xi1>
        %mul3A_731 = arith.constant 128 : i32
        %mul3A_732 = arith.muli %select_n3A_628, %mul3A_731 : i32
        %add3A_733 = arith.constant 64 : i32
        %add3A_734 = arith.addi %mul3A_732, %add3A_733 : i32
        %get3A_735 = arith.index_cast %add3A_734 : i32 to index
        %get3A_736 = tpu.vector_load %arg4[%get3A_735] {strides = array<i32>} : memref<512xi32, #tpu.memory_space<vmem>>, vector<16xi32>,
        %sub3A_737 = vector.broadcast %mul3A_646 : i32 to vector<16xi32>
        %sub3A_738 = arith.subi %get3A_736, %sub3A_737 : vector<16xi32>
        %ge3A_739 = arith.constant 0 : i32
        %ge3A_740 = vector.broadcast %ge3A_739 : i32 to vector<16xi32>
        %ge3A_741 = arith.cmpi sge, %sub3A_738, %ge3A_740 : vector<16xi32>
        %lt3A_742 = arith.constant 200 : i32
        %lt3A_743 = vector.broadcast %lt3A_742 : i32 to vector<16xi32>
        %lt3A_744 = arith.cmpi slt, %sub3A_738, %lt3A_743 : vector<16xi32>
        %and3A_745 = arith.andi %ge3A_741, %lt3A_744 : vector<16xi1>
        %jit3A_746 = arith.constant 0 : i32
        %broadcast_in_dim3A_747 = vector.broadcast %jit3A_746 : i32 to vector<16xi32>
        %select_n3A_748 = arith.select %and3A_745, %sub3A_738, %broadcast_in_dim3A_747 : vector<16xi1>, vector<16xi32>
        %add3A_749 = arith.constant 64 : i32
        %add3A_750 = vector.broadcast %add3A_749 : i32 to vector<16xi32>
        %add3A_751 = arith.addi %iota3A, %add3A_750 : vector<16xi32>
        tpu.vector_store_idx %arg5[%select_n3A_748, %add3A_751], %broadcast_in_dim3A_6 masked %and3A_745 : memref<200x128xf32, #tpu.memory_space<vmem>>[vector<16xi32>, vector<16xi32>], vector<16xf32>, vector<16xi1>
        %mul3A_752 = arith.constant 128 : i32
        %mul3A_753 = arith.muli %select_n3A_628, %mul3A_752 : i32
        %add3A_754 = arith.constant 80 : i32
        %add3A_755 = arith.addi %mul3A_753, %add3A_754 : i32
        %get3A_756 = arith.index_cast %add3A_755 : i32 to index
        %get3A_757 = tpu.vector_load %arg4[%get3A_756] {strides = array<i32>} : memref<512xi32, #tpu.memory_space<vmem>>, vector<16xi32>,
        %sub3A_758 = vector.broadcast %mul3A_646 : i32 to vector<16xi32>
        %sub3A_759 = arith.subi %get3A_757, %sub3A_758 : vector<16xi32>
        %ge3A_760 = arith.constant 0 : i32
        %ge3A_761 = vector.broadcast %ge3A_760 : i32 to vector<16xi32>
        %ge3A_762 = arith.cmpi sge, %sub3A_759, %ge3A_761 : vector<16xi32>
        %lt3A_763 = arith.constant 200 : i32
        %lt3A_764 = vector.broadcast %lt3A_763 : i32 to vector<16xi32>
        %lt3A_765 = arith.cmpi slt, %sub3A_759, %lt3A_764 : vector<16xi32>
        %and3A_766 = arith.andi %ge3A_762, %lt3A_765 : vector<16xi1>
        %jit3A_767 = arith.constant 0 : i32
        %broadcast_in_dim3A_768 = vector.broadcast %jit3A_767 : i32 to vector<16xi32>
        %select_n3A_769 = arith.select %and3A_766, %sub3A_759, %broadcast_in_dim3A_768 : vector<16xi1>, vector<16xi32>
        %add3A_770 = arith.constant 80 : i32
        %add3A_771 = vector.broadcast %add3A_770 : i32 to vector<16xi32>
        %add3A_772 = arith.addi %iota3A, %add3A_771 : vector<16xi32>
        tpu.vector_store_idx %arg5[%select_n3A_769, %add3A_772], %broadcast_in_dim3A_6 masked %and3A_766 : memref<200x128xf32, #tpu.memory_space<vmem>>[vector<16xi32>, vector<16xi32>], vector<16xf32>, vector<16xi1>
        %mul3A_773 = arith.constant 128 : i32
        %mul3A_774 = arith.muli %select_n3A_628, %mul3A_773 : i32
        %add3A_775 = arith.constant 96 : i32
        %add3A_776 = arith.addi %mul3A_774, %add3A_775 : i32
        %get3A_777 = arith.index_cast %add3A_776 : i32 to index
        %get3A_778 = tpu.vector_load %arg4[%get3A_777] {strides = array<i32>} : memref<512xi32, #tpu.memory_space<vmem>>, vector<16xi32>,
        %sub3A_779 = vector.broadcast %mul3A_646 : i32 to vector<16xi32>
        %sub3A_780 = arith.subi %get3A_778, %sub3A_779 : vector<16xi32>
        %ge3A_781 = arith.constant 0 : i32
        %ge3A_782 = vector.broadcast %ge3A_781 : i32 to vector<16xi32>
        %ge3A_783 = arith.cmpi sge, %sub3A_780, %ge3A_782 : vector<16xi32>
        %lt3A_784 = arith.constant 200 : i32
        %lt3A_785 = vector.broadcast %lt3A_784 : i32 to vector<16xi32>
        %lt3A_786 = arith.cmpi slt, %sub3A_780, %lt3A_785 : vector<16xi32>
        %and3A_787 = arith.andi %ge3A_783, %lt3A_786 : vector<16xi1>
        %jit3A_788 = arith.constant 0 : i32
        %broadcast_in_dim3A_789 = vector.broadcast %jit3A_788 : i32 to vector<16xi32>
        %select_n3A_790 = arith.select %and3A_787, %sub3A_780, %broadcast_in_dim3A_789 : vector<16xi1>, vector<16xi32>
        %add3A_791 = arith.constant 96 : i32
        %add3A_792 = vector.broadcast %add3A_791 : i32 to vector<16xi32>
        %add3A_793 = arith.addi %iota3A, %add3A_792 : vector<16xi32>
        tpu.vector_store_idx %arg5[%select_n3A_790, %add3A_793], %broadcast_in_dim3A_6 masked %and3A_787 : memref<200x128xf32, #tpu.memory_space<vmem>>[vector<16xi32>, vector<16xi32>], vector<16xf32>, vector<16xi1>
        %mul3A_794 = arith.constant 128 : i32
        %mul3A_795 = arith.muli %select_n3A_628, %mul3A_794 : i32
        %add3A_796 = arith.constant 112 : i32
        %add3A_797 = arith.addi %mul3A_795, %add3A_796 : i32
        %get3A_798 = arith.index_cast %add3A_797 : i32 to index
        %get3A_799 = tpu.vector_load %arg4[%get3A_798] {strides = array<i32>} : memref<512xi32, #tpu.memory_space<vmem>>, vector<16xi32>,
        %sub3A_800 = vector.broadcast %mul3A_646 : i32 to vector<16xi32>
        %sub3A_801 = arith.subi %get3A_799, %sub3A_800 : vector<16xi32>
        %ge3A_802 = arith.constant 0 : i32
        %ge3A_803 = vector.broadcast %ge3A_802 : i32 to vector<16xi32>
        %ge3A_804 = arith.cmpi sge, %sub3A_801, %ge3A_803 : vector<16xi32>
        %lt3A_805 = arith.constant 200 : i32
        %lt3A_806 = vector.broadcast %lt3A_805 : i32 to vector<16xi32>
        %lt3A_807 = arith.cmpi slt, %sub3A_801, %lt3A_806 : vector<16xi32>
        %and3A_808 = arith.andi %ge3A_804, %lt3A_807 : vector<16xi1>
        %jit3A_809 = arith.constant 0 : i32
        %broadcast_in_dim3A_810 = vector.broadcast %jit3A_809 : i32 to vector<16xi32>
        %select_n3A_811 = arith.select %and3A_808, %sub3A_801, %broadcast_in_dim3A_810 : vector<16xi1>, vector<16xi32>
        %add3A_812 = arith.constant 112 : i32
        %add3A_813 = vector.broadcast %add3A_812 : i32 to vector<16xi32>
        %add3A_814 = arith.addi %iota3A, %add3A_813 : vector<16xi32>
        tpu.vector_store_idx %arg5[%select_n3A_811, %add3A_814], %broadcast_in_dim3A_6 masked %and3A_808 : memref<200x128xf32, #tpu.memory_space<vmem>>[vector<16xi32>, vector<16xi32>], vector<16xf32>, vector<16xi1>
      } else {
      }
      %jit3A = arith.constant 5 : i32
      %div3A = arith.divsi %add3A_36, %jit3A : i32
      %sign3A = arith.constant 0 : i32
      %sign3A_39 = arith.cmpi sgt, %add3A_36, %sign3A : i32
      %sign3A_40 = arith.extui %sign3A_39 : i1 to i32
      %sign3A_41 = arith.constant 0 : i32
      %sign3A_42 = arith.cmpi slt, %add3A_36, %sign3A_41 : i32
      %sign3A_43 = arith.extui %sign3A_42 : i1 to i32
      %sign3A_44 = arith.subi %sign3A_40, %sign3A_43 : i32
      %sign3A_45 = arith.constant 0 : i32
      %sign3A_46 = arith.cmpi sgt, %jit3A, %sign3A_45 : i32
      %sign3A_47 = arith.extui %sign3A_46 : i1 to i32
      %sign3A_48 = arith.constant 0 : i32
      %sign3A_49 = arith.cmpi slt, %jit3A, %sign3A_48 : i32
      %sign3A_50 = arith.extui %sign3A_49 : i1 to i32
      %sign3A_51 = arith.subi %sign3A_47, %sign3A_50 : i32
      %ne3A = arith.cmpi ne, %sign3A_44, %sign3A_51 : i32
      %rem3A = arith.remsi %add3A_36, %jit3A : i32
      %ne3A_52 = arith.constant 0 : i32
      %ne3A_53 = arith.cmpi ne, %rem3A, %ne3A_52 : i32
      %and3A = arith.andi %ne3A, %ne3A_53 : i1
      %sub3A = arith.constant 1 : i32
      %sub3A_54 = arith.subi %div3A, %sub3A : i32
      %select_n3A = arith.select %and3A, %sub3A_54, %div3A : i32
      %jit3A_55 = arith.constant 5 : i32
      %eq3A = arith.constant 0 : i32
      %eq3A_56 = arith.cmpi eq, %jit3A_55, %eq3A : i32
      %jit3A_57 = arith.constant 1 : i32
      %select_n3A_58 = arith.select %eq3A_56, %jit3A_57, %jit3A_55 : i32
      %rem3A_59 = arith.remsi %add3A_36, %select_n3A_58 : i32
      %ne3A_60 = arith.constant 0 : i32
      %ne3A_61 = arith.cmpi ne, %rem3A_59, %ne3A_60 : i32
      %lt3A = arith.constant 0 : i32
      %lt3A_62 = arith.cmpi slt, %rem3A_59, %lt3A : i32
      %lt3A_63 = arith.constant 0 : i32
      %lt3A_64 = arith.cmpi slt, %select_n3A_58, %lt3A_63 : i32
      %ne3A_65 = arith.xori %lt3A_62, %lt3A_64 : i1
      %and3A_66 = arith.andi %ne3A_65, %ne3A_61 : i1
      %add3A_67 = arith.addi %rem3A_59, %select_n3A_58 : i32
      %select_n3A_68 = arith.select %and3A_66, %add3A_67, %rem3A_59 : i32
      %mul3A_69 = arith.constant 200 : i32
      %mul3A_70 = arith.muli %select_n3A_68, %mul3A_69 : i32
      %mul3A_71 = arith.constant 128 : i32
      %mul3A_72 = arith.muli %select_n3A, %mul3A_71 : i32
      %add3A_73 = arith.constant 0 : i32
      %add3A_74 = arith.addi %mul3A_72, %add3A_73 : i32
      %get3A = arith.index_cast %add3A_74 : i32 to index
      %get3A_75 = tpu.vector_load %arg4[%get3A] {strides = array<i32>} : memref<512xi32, #tpu.memory_space<vmem>>, vector<16xi32>,
      %sub3A_76 = vector.broadcast %mul3A_70 : i32 to vector<16xi32>
      %sub3A_77 = arith.subi %get3A_75, %sub3A_76 : vector<16xi32>
      %ge3A = arith.constant 0 : i32
      %ge3A_78 = vector.broadcast %ge3A : i32 to vector<16xi32>
      %ge3A_79 = arith.cmpi sge, %sub3A_77, %ge3A_78 : vector<16xi32>
      %lt3A_80 = arith.constant 200 : i32
      %lt3A_81 = vector.broadcast %lt3A_80 : i32 to vector<16xi32>
      %lt3A_82 = arith.cmpi slt, %sub3A_77, %lt3A_81 : vector<16xi32>
      %and3A_83 = arith.andi %ge3A_79, %lt3A_82 : vector<16xi1>
      %jit3A_84 = arith.constant 0 : i32
      %broadcast_in_dim3A_85 = vector.broadcast %jit3A_84 : i32 to vector<16xi32>
      %select_n3A_86 = arith.select %and3A_83, %sub3A_77, %broadcast_in_dim3A_85 : vector<16xi1>, vector<16xi32>
      %add3A_87 = arith.constant 0 : i32
      %add3A_88 = vector.broadcast %add3A_87 : i32 to vector<16xi32>
      %add3A_89 = arith.addi %iota3A, %add3A_88 : vector<16xi32>
      tpu.vector_store_idx %arg5[%select_n3A_86, %add3A_89], %broadcast_in_dim3A_4 masked %and3A_83 : memref<200x128xf32, #tpu.memory_space<vmem>>[vector<16xi32>, vector<16xi32>], vector<16xf32>, vector<16xi1>
      %mul3A_90 = arith.constant 128 : i32
      %mul3A_91 = arith.muli %select_n3A, %mul3A_90 : i32
      %add3A_92 = arith.constant 16 : i32
      %add3A_93 = arith.addi %mul3A_91, %add3A_92 : i32
      %get3A_94 = arith.index_cast %add3A_93 : i32 to index
      %get3A_95 = tpu.vector_load %arg4[%get3A_94] {strides = array<i32>} : memref<512xi32, #tpu.memory_space<vmem>>, vector<16xi32>,
      %sub3A_96 = vector.broadcast %mul3A_70 : i32 to vector<16xi32>
      %sub3A_97 = arith.subi %get3A_95, %sub3A_96 : vector<16xi32>
      %ge3A_98 = arith.constant 0 : i32
      %ge3A_99 = vector.broadcast %ge3A_98 : i32 to vector<16xi32>
      %ge3A_100 = arith.cmpi sge, %sub3A_97, %ge3A_99 : vector<16xi32>
      %lt3A_101 = arith.constant 200 : i32
      %lt3A_102 = vector.broadcast %lt3A_101 : i32 to vector<16xi32>
      %lt3A_103 = arith.cmpi slt, %sub3A_97, %lt3A_102 : vector<16xi32>
      %and3A_104 = arith.andi %ge3A_100, %lt3A_103 : vector<16xi1>
      %jit3A_105 = arith.constant 0 : i32
      %broadcast_in_dim3A_106 = vector.broadcast %jit3A_105 : i32 to vector<16xi32>
      %select_n3A_107 = arith.select %and3A_104, %sub3A_97, %broadcast_in_dim3A_106 : vector<16xi1>, vector<16xi32>
      %add3A_108 = arith.constant 16 : i32
      %add3A_109 = vector.broadcast %add3A_108 : i32 to vector<16xi32>
      %add3A_110 = arith.addi %iota3A, %add3A_109 : vector<16xi32>
      tpu.vector_store_idx %arg5[%select_n3A_107, %add3A_110], %broadcast_in_dim3A_4 masked %and3A_104 : memref<200x128xf32, #tpu.memory_space<vmem>>[vector<16xi32>, vector<16xi32>], vector<16xf32>, vector<16xi1>
      %mul3A_111 = arith.constant 128 : i32
      %mul3A_112 = arith.muli %select_n3A, %mul3A_111 : i32
      %add3A_113 = arith.constant 32 : i32
      %add3A_114 = arith.addi %mul3A_112, %add3A_113 : i32
      %get3A_115 = arith.index_cast %add3A_114 : i32 to index
      %get3A_116 = tpu.vector_load %arg4[%get3A_115] {strides = array<i32>} : memref<512xi32, #tpu.memory_space<vmem>>, vector<16xi32>,
      %sub3A_117 = vector.broadcast %mul3A_70 : i32 to vector<16xi32>
      %sub3A_118 = arith.subi %get3A_116, %sub3A_117 : vector<16xi32>
      %ge3A_119 = arith.constant 0 : i32
      %ge3A_120 = vector.broadcast %ge3A_119 : i32 to vector<16xi32>
      %ge3A_121 = arith.cmpi sge, %sub3A_118, %ge3A_120 : vector<16xi32>
      %lt3A_122 = arith.constant 200 : i32
      %lt3A_123 = vector.broadcast %lt3A_122 : i32 to vector<16xi32>
      %lt3A_124 = arith.cmpi slt, %sub3A_118, %lt3A_123 : vector<16xi32>
      %and3A_125 = arith.andi %ge3A_121, %lt3A_124 : vector<16xi1>
      %jit3A_126 = arith.constant 0 : i32
      %broadcast_in_dim3A_127 = vector.broadcast %jit3A_126 : i32 to vector<16xi32>
      %select_n3A_128 = arith.select %and3A_125, %sub3A_118, %broadcast_in_dim3A_127 : vector<16xi1>, vector<16xi32>
      %add3A_129 = arith.constant 32 : i32
      %add3A_130 = vector.broadcast %add3A_129 : i32 to vector<16xi32>
      %add3A_131 = arith.addi %iota3A, %add3A_130 : vector<16xi32>
      tpu.vector_store_idx %arg5[%select_n3A_128, %add3A_131], %broadcast_in_dim3A_4 masked %and3A_125 : memref<200x128xf32, #tpu.memory_space<vmem>>[vector<16xi32>, vector<16xi32>], vector<16xf32>, vector<16xi1>
      %mul3A_132 = arith.constant 128 : i32
      %mul3A_133 = arith.muli %select_n3A, %mul3A_132 : i32
      %add3A_134 = arith.constant 48 : i32
      %add3A_135 = arith.addi %mul3A_133, %add3A_134 : i32
      %get3A_136 = arith.index_cast %add3A_135 : i32 to index
      %get3A_137 = tpu.vector_load %arg4[%get3A_136] {strides = array<i32>} : memref<512xi32, #tpu.memory_space<vmem>>, vector<16xi32>,
      %sub3A_138 = vector.broadcast %mul3A_70 : i32 to vector<16xi32>
      %sub3A_139 = arith.subi %get3A_137, %sub3A_138 : vector<16xi32>
      %ge3A_140 = arith.constant 0 : i32
      %ge3A_141 = vector.broadcast %ge3A_140 : i32 to vector<16xi32>
      %ge3A_142 = arith.cmpi sge, %sub3A_139, %ge3A_141 : vector<16xi32>
      %lt3A_143 = arith.constant 200 : i32
      %lt3A_144 = vector.broadcast %lt3A_143 : i32 to vector<16xi32>
      %lt3A_145 = arith.cmpi slt, %sub3A_139, %lt3A_144 : vector<16xi32>
      %and3A_146 = arith.andi %ge3A_142, %lt3A_145 : vector<16xi1>
      %jit3A_147 = arith.constant 0 : i32
      %broadcast_in_dim3A_148 = vector.broadcast %jit3A_147 : i32 to vector<16xi32>
      %select_n3A_149 = arith.select %and3A_146, %sub3A_139, %broadcast_in_dim3A_148 : vector<16xi1>, vector<16xi32>
      %add3A_150 = arith.constant 48 : i32
      %add3A_151 = vector.broadcast %add3A_150 : i32 to vector<16xi32>
      %add3A_152 = arith.addi %iota3A, %add3A_151 : vector<16xi32>
      tpu.vector_store_idx %arg5[%select_n3A_149, %add3A_152], %broadcast_in_dim3A_4 masked %and3A_146 : memref<200x128xf32, #tpu.memory_space<vmem>>[vector<16xi32>, vector<16xi32>], vector<16xf32>, vector<16xi1>
      %mul3A_153 = arith.constant 128 : i32
      %mul3A_154 = arith.muli %select_n3A, %mul3A_153 : i32
      %add3A_155 = arith.constant 64 : i32
      %add3A_156 = arith.addi %mul3A_154, %add3A_155 : i32
      %get3A_157 = arith.index_cast %add3A_156 : i32 to index
      %get3A_158 = tpu.vector_load %arg4[%get3A_157] {strides = array<i32>} : memref<512xi32, #tpu.memory_space<vmem>>, vector<16xi32>,
      %sub3A_159 = vector.broadcast %mul3A_70 : i32 to vector<16xi32>
      %sub3A_160 = arith.subi %get3A_158, %sub3A_159 : vector<16xi32>
      %ge3A_161 = arith.constant 0 : i32
      %ge3A_162 = vector.broadcast %ge3A_161 : i32 to vector<16xi32>
      %ge3A_163 = arith.cmpi sge, %sub3A_160, %ge3A_162 : vector<16xi32>
      %lt3A_164 = arith.constant 200 : i32
      %lt3A_165 = vector.broadcast %lt3A_164 : i32 to vector<16xi32>
      %lt3A_166 = arith.cmpi slt, %sub3A_160, %lt3A_165 : vector<16xi32>
      %and3A_167 = arith.andi %ge3A_163, %lt3A_166 : vector<16xi1>
      %jit3A_168 = arith.constant 0 : i32
      %broadcast_in_dim3A_169 = vector.broadcast %jit3A_168 : i32 to vector<16xi32>
      %select_n3A_170 = arith.select %and3A_167, %sub3A_160, %broadcast_in_dim3A_169 : vector<16xi1>, vector<16xi32>
      %add3A_171 = arith.constant 64 : i32
      %add3A_172 = vector.broadcast %add3A_171 : i32 to vector<16xi32>
      %add3A_173 = arith.addi %iota3A, %add3A_172 : vector<16xi32>
      tpu.vector_store_idx %arg5[%select_n3A_170, %add3A_173], %broadcast_in_dim3A_4 masked %and3A_167 : memref<200x128xf32, #tpu.memory_space<vmem>>[vector<16xi32>, vector<16xi32>], vector<16xf32>, vector<16xi1>
      %mul3A_174 = arith.constant 128 : i32
      %mul3A_175 = arith.muli %select_n3A, %mul3A_174 : i32
      %add3A_176 = arith.constant 80 : i32
      %add3A_177 = arith.addi %mul3A_175, %add3A_176 : i32
      %get3A_178 = arith.index_cast %add3A_177 : i32 to index
      %get3A_179 = tpu.vector_load %arg4[%get3A_178] {strides = array<i32>} : memref<512xi32, #tpu.memory_space<vmem>>, vector<16xi32>,
      %sub3A_180 = vector.broadcast %mul3A_70 : i32 to vector<16xi32>
      %sub3A_181 = arith.subi %get3A_179, %sub3A_180 : vector<16xi32>
      %ge3A_182 = arith.constant 0 : i32
      %ge3A_183 = vector.broadcast %ge3A_182 : i32 to vector<16xi32>
      %ge3A_184 = arith.cmpi sge, %sub3A_181, %ge3A_183 : vector<16xi32>
      %lt3A_185 = arith.constant 200 : i32
      %lt3A_186 = vector.broadcast %lt3A_185 : i32 to vector<16xi32>
      %lt3A_187 = arith.cmpi slt, %sub3A_181, %lt3A_186 : vector<16xi32>
      %and3A_188 = arith.andi %ge3A_184, %lt3A_187 : vector<16xi1>
      %jit3A_189 = arith.constant 0 : i32
      %broadcast_in_dim3A_190 = vector.broadcast %jit3A_189 : i32 to vector<16xi32>
      %select_n3A_191 = arith.select %and3A_188, %sub3A_181, %broadcast_in_dim3A_190 : vector<16xi1>, vector<16xi32>
      %add3A_192 = arith.constant 80 : i32
      %add3A_193 = vector.broadcast %add3A_192 : i32 to vector<16xi32>
      %add3A_194 = arith.addi %iota3A, %add3A_193 : vector<16xi32>
      tpu.vector_store_idx %arg5[%select_n3A_191, %add3A_194], %broadcast_in_dim3A_4 masked %and3A_188 : memref<200x128xf32, #tpu.memory_space<vmem>>[vector<16xi32>, vector<16xi32>], vector<16xf32>, vector<16xi1>
      %mul3A_195 = arith.constant 128 : i32
      %mul3A_196 = arith.muli %select_n3A, %mul3A_195 : i32
      %add3A_197 = arith.constant 96 : i32
      %add3A_198 = arith.addi %mul3A_196, %add3A_197 : i32
      %get3A_199 = arith.index_cast %add3A_198 : i32 to index
      %get3A_200 = tpu.vector_load %arg4[%get3A_199] {strides = array<i32>} : memref<512xi32, #tpu.memory_space<vmem>>, vector<16xi32>,
      %sub3A_201 = vector.broadcast %mul3A_70 : i32 to vector<16xi32>
      %sub3A_202 = arith.subi %get3A_200, %sub3A_201 : vector<16xi32>
      %ge3A_203 = arith.constant 0 : i32
      %ge3A_204 = vector.broadcast %ge3A_203 : i32 to vector<16xi32>
      %ge3A_205 = arith.cmpi sge, %sub3A_202, %ge3A_204 : vector<16xi32>
      %lt3A_206 = arith.constant 200 : i32
      %lt3A_207 = vector.broadcast %lt3A_206 : i32 to vector<16xi32>
      %lt3A_208 = arith.cmpi slt, %sub3A_202, %lt3A_207 : vector<16xi32>
      %and3A_209 = arith.andi %ge3A_205, %lt3A_208 : vector<16xi1>
      %jit3A_210 = arith.constant 0 : i32
      %broadcast_in_dim3A_211 = vector.broadcast %jit3A_210 : i32 to vector<16xi32>
      %select_n3A_212 = arith.select %and3A_209, %sub3A_202, %broadcast_in_dim3A_211 : vector<16xi1>, vector<16xi32>
      %add3A_213 = arith.constant 96 : i32
      %add3A_214 = vector.broadcast %add3A_213 : i32 to vector<16xi32>
      %add3A_215 = arith.addi %iota3A, %add3A_214 : vector<16xi32>
      tpu.vector_store_idx %arg5[%select_n3A_212, %add3A_215], %broadcast_in_dim3A_4 masked %and3A_209 : memref<200x128xf32, #tpu.memory_space<vmem>>[vector<16xi32>, vector<16xi32>], vector<16xf32>, vector<16xi1>
      %mul3A_216 = arith.constant 128 : i32
      %mul3A_217 = arith.muli %select_n3A, %mul3A_216 : i32
      %add3A_218 = arith.constant 112 : i32
      %add3A_219 = arith.addi %mul3A_217, %add3A_218 : i32
      %get3A_220 = arith.index_cast %add3A_219 : i32 to index
      %get3A_221 = tpu.vector_load %arg4[%get3A_220] {strides = array<i32>} : memref<512xi32, #tpu.memory_space<vmem>>, vector<16xi32>,
      %sub3A_222 = vector.broadcast %mul3A_70 : i32 to vector<16xi32>
      %sub3A_223 = arith.subi %get3A_221, %sub3A_222 : vector<16xi32>
      %ge3A_224 = arith.constant 0 : i32
      %ge3A_225 = vector.broadcast %ge3A_224 : i32 to vector<16xi32>
      %ge3A_226 = arith.cmpi sge, %sub3A_223, %ge3A_225 : vector<16xi32>
      %lt3A_227 = arith.constant 200 : i32
      %lt3A_228 = vector.broadcast %lt3A_227 : i32 to vector<16xi32>
      %lt3A_229 = arith.cmpi slt, %sub3A_223, %lt3A_228 : vector<16xi32>
      %and3A_230 = arith.andi %ge3A_226, %lt3A_229 : vector<16xi1>
      %jit3A_231 = arith.constant 0 : i32
      %broadcast_in_dim3A_232 = vector.broadcast %jit3A_231 : i32 to vector<16xi32>
      %select_n3A_233 = arith.select %and3A_230, %sub3A_223, %broadcast_in_dim3A_232 : vector<16xi1>, vector<16xi32>
      %add3A_234 = arith.constant 112 : i32
      %add3A_235 = vector.broadcast %add3A_234 : i32 to vector<16xi32>
      %add3A_236 = arith.addi %iota3A, %add3A_235 : vector<16xi32>
      tpu.vector_store_idx %arg5[%select_n3A_233, %add3A_236], %broadcast_in_dim3A_4 masked %and3A_230 : memref<200x128xf32, #tpu.memory_space<vmem>>[vector<16xi32>, vector<16xi32>], vector<16xf32>, vector<16xi1>
      %jit3A_237 = arith.constant 5 : i32
      %div3A_238 = arith.divsi %add3A_36, %jit3A_237 : i32
      %sign3A_239 = arith.constant 0 : i32
      %sign3A_240 = arith.cmpi sgt, %add3A_36, %sign3A_239 : i32
      %sign3A_241 = arith.extui %sign3A_240 : i1 to i32
      %sign3A_242 = arith.constant 0 : i32
      %sign3A_243 = arith.cmpi slt, %add3A_36, %sign3A_242 : i32
      %sign3A_244 = arith.extui %sign3A_243 : i1 to i32
      %sign3A_245 = arith.subi %sign3A_241, %sign3A_244 : i32
      %sign3A_246 = arith.constant 0 : i32
      %sign3A_247 = arith.cmpi sgt, %jit3A_237, %sign3A_246 : i32
      %sign3A_248 = arith.extui %sign3A_247 : i1 to i32
      %sign3A_249 = arith.constant 0 : i32
      %sign3A_250 = arith.cmpi slt, %jit3A_237, %sign3A_249 : i32
      %sign3A_251 = arith.extui %sign3A_250 : i1 to i32
      %sign3A_252 = arith.subi %sign3A_248, %sign3A_251 : i32
      %ne3A_253 = arith.cmpi ne, %sign3A_245, %sign3A_252 : i32
      %rem3A_254 = arith.remsi %add3A_36, %jit3A_237 : i32
      %ne3A_255 = arith.constant 0 : i32
      %ne3A_256 = arith.cmpi ne, %rem3A_254, %ne3A_255 : i32
      %and3A_257 = arith.andi %ne3A_253, %ne3A_256 : i1
      %sub3A_258 = arith.constant 1 : i32
      %sub3A_259 = arith.subi %div3A_238, %sub3A_258 : i32
      %select_n3A_260 = arith.select %and3A_257, %sub3A_259, %div3A_238 : i32
      %jit3A_261 = arith.constant 5 : i32
      %eq3A_262 = arith.constant 0 : i32
      %eq3A_263 = arith.cmpi eq, %jit3A_261, %eq3A_262 : i32
      %jit3A_264 = arith.constant 1 : i32
      %select_n3A_265 = arith.select %eq3A_263, %jit3A_264, %jit3A_261 : i32
      %rem3A_266 = arith.remsi %add3A_36, %select_n3A_265 : i32
      %ne3A_267 = arith.constant 0 : i32
      %ne3A_268 = arith.cmpi ne, %rem3A_266, %ne3A_267 : i32
      %lt3A_269 = arith.constant 0 : i32
      %lt3A_270 = arith.cmpi slt, %rem3A_266, %lt3A_269 : i32
      %lt3A_271 = arith.constant 0 : i32
      %lt3A_272 = arith.cmpi slt, %select_n3A_265, %lt3A_271 : i32
      %ne3A_273 = arith.xori %lt3A_270, %lt3A_272 : i1
      %and3A_274 = arith.andi %ne3A_273, %ne3A_268 : i1
      %add3A_275 = arith.addi %rem3A_266, %select_n3A_265 : i32
      %select_n3A_276 = arith.select %and3A_274, %add3A_275, %rem3A_266 : i32
      %mul3A_277 = arith.constant 200 : i32
      %mul3A_278 = arith.muli %select_n3A_276, %mul3A_277 : i32
      %multiple_of3A_279 = tpu.assume_multiple %mul3A_278, 8 : i32
      %mul3A_280 = arith.constant 128 : i32
      %mul3A_281 = arith.muli %select_n3A_260, %mul3A_280 : i32
      %add3A_282 = arith.addi %mul3A_2, %mul3A_281 : i32
      %multiple_of3A_283 = tpu.assume_multiple %add3A_282, 128 : i32
      %dma_start3A_284 = tpu.memref_slice %arg3[%multiple_of3A_279, %multiple_of3A_283] : memref<1000x16384xf32, #tpu.memory_space<hbm>> -> memref<200x128xf32, #tpu.memory_space<hbm>>
      %dma_start3A_285 = tpu.memref_slice %arg3[%multiple_of3A_279, %multiple_of3A_283] : memref<1000x16384xf32, #tpu.memory_space<hbm>> -> memref<200x128xf32, #tpu.memory_space<hbm>>
      tpu.enqueue_dma source(%arg5 : memref<200x128xf32, #tpu.memory_space<vmem>>) target(%dma_start3A_285 : memref<200x128xf32, #tpu.memory_space<hbm>>) target_semaphore(%arg7 : memref<!tpu.dma_semaphore, #tpu.memory_space<semaphore_mem>>)
      %mul3A_286 = arith.constant 2 : i32
      %mul3A_287 = arith.muli %scan3A_32, %mul3A_286 : i32
      %add3A_288 = arith.constant 1 : i32
      %add3A_289 = arith.addi %mul3A_287, %add3A_288 : i32
      %gt3A_290 = arith.constant 0 : i32
      %gt3A_291 = arith.cmpi sgt, %scan3A_32, %gt3A_290 : i32
      %convert_element_type3A_292 = arith.extui %gt3A_291 : i1 to i32
      %cond3A_293 = arith.constant 0 : i32
      %cond3A_294 = arith.cmpi ne, %convert_element_type3A_292, %cond3A_293 : i32
      scf.if %cond3A_294 {
        %jit3A_554 = arith.constant 5 : i32
        %div3A_555 = arith.divsi %add3A_289, %jit3A_554 : i32
        %sign3A_556 = arith.constant 0 : i32
        %sign3A_557 = arith.cmpi sgt, %add3A_289, %sign3A_556 : i32
        %sign3A_558 = arith.extui %sign3A_557 : i1 to i32
        %sign3A_559 = arith.constant 0 : i32
        %sign3A_560 = arith.cmpi slt, %add3A_289, %sign3A_559 : i32
        %sign3A_561 = arith.extui %sign3A_560 : i1 to i32
        %sign3A_562 = arith.subi %sign3A_558, %sign3A_561 : i32
        %sign3A_563 = arith.constant 0 : i32
        %sign3A_564 = arith.cmpi sgt, %jit3A_554, %sign3A_563 : i32
        %sign3A_565 = arith.extui %sign3A_564 : i1 to i32
        %sign3A_566 = arith.constant 0 : i32
        %sign3A_567 = arith.cmpi slt, %jit3A_554, %sign3A_566 : i32
        %sign3A_568 = arith.extui %sign3A_567 : i1 to i32
        %sign3A_569 = arith.subi %sign3A_565, %sign3A_568 : i32
        %ne3A_570 = arith.cmpi ne, %sign3A_562, %sign3A_569 : i32
        %rem3A_571 = arith.remsi %add3A_289, %jit3A_554 : i32
        %ne3A_572 = arith.constant 0 : i32
        %ne3A_573 = arith.cmpi ne, %rem3A_571, %ne3A_572 : i32
        %and3A_574 = arith.andi %ne3A_570, %ne3A_573 : i1
        %sub3A_575 = arith.constant 1 : i32
        %sub3A_576 = arith.subi %div3A_555, %sub3A_575 : i32
        %select_n3A_577 = arith.select %and3A_574, %sub3A_576, %div3A_555 : i32
        %jit3A_578 = arith.constant 5 : i32
        %eq3A_579 = arith.constant 0 : i32
        %eq3A_580 = arith.cmpi eq, %jit3A_578, %eq3A_579 : i32
        %jit3A_581 = arith.constant 1 : i32
        %select_n3A_582 = arith.select %eq3A_580, %jit3A_581, %jit3A_578 : i32
        %rem3A_583 = arith.remsi %add3A_289, %select_n3A_582 : i32
        %ne3A_584 = arith.constant 0 : i32
        %ne3A_585 = arith.cmpi ne, %rem3A_583, %ne3A_584 : i32
        %lt3A_586 = arith.constant 0 : i32
        %lt3A_587 = arith.cmpi slt, %rem3A_583, %lt3A_586 : i32
        %lt3A_588 = arith.constant 0 : i32
        %lt3A_589 = arith.cmpi slt, %select_n3A_582, %lt3A_588 : i32
        %ne3A_590 = arith.xori %lt3A_587, %lt3A_589 : i1
        %and3A_591 = arith.andi %ne3A_590, %ne3A_585 : i1
        %add3A_592 = arith.addi %rem3A_583, %select_n3A_582 : i32
        %select_n3A_593 = arith.select %and3A_591, %add3A_592, %rem3A_583 : i32
        %mul3A_594 = arith.constant 200 : i32
        %mul3A_595 = arith.muli %select_n3A_593, %mul3A_594 : i32
        %multiple_of3A_596 = tpu.assume_multiple %mul3A_595, 8 : i32
        %mul3A_597 = arith.constant 128 : i32
        %mul3A_598 = arith.muli %select_n3A_577, %mul3A_597 : i32
        %add3A_599 = arith.addi %mul3A_2, %mul3A_598 : i32
        %multiple_of3A_600 = tpu.assume_multiple %add3A_599, 128 : i32
        %dma_wait3A_601 = tpu.memref_slice %arg3[%multiple_of3A_596, %multiple_of3A_600] : memref<1000x16384xf32, #tpu.memory_space<hbm>> -> memref<200x128xf32, #tpu.memory_space<hbm>>
        %dma_wait3A_602 = tpu.memref_slice %arg3[%multiple_of3A_596, %multiple_of3A_600] : memref<1000x16384xf32, #tpu.memory_space<hbm>> -> memref<200x128xf32, #tpu.memory_space<hbm>>
        tpu.wait_dma2 semaphore(%arg8 : memref<!tpu.dma_semaphore, #tpu.memory_space<semaphore_mem>>) src(%arg6 : memref<200x128xf32, #tpu.memory_space<vmem>>) dst(%dma_wait3A_602 : memref<200x128xf32, #tpu.memory_space<hbm>>)
        %sub3A_603 = arith.constant 2 : i32
        %sub3A_604 = arith.subi %add3A_289, %sub3A_603 : i32
        %jit3A_605 = arith.constant 5 : i32
        %div3A_606 = arith.divsi %sub3A_604, %jit3A_605 : i32
        %sign3A_607 = arith.constant 0 : i32
        %sign3A_608 = arith.cmpi sgt, %sub3A_604, %sign3A_607 : i32
        %sign3A_609 = arith.extui %sign3A_608 : i1 to i32
        %sign3A_610 = arith.constant 0 : i32
        %sign3A_611 = arith.cmpi slt, %sub3A_604, %sign3A_610 : i32
        %sign3A_612 = arith.extui %sign3A_611 : i1 to i32
        %sign3A_613 = arith.subi %sign3A_609, %sign3A_612 : i32
        %sign3A_614 = arith.constant 0 : i32
        %sign3A_615 = arith.cmpi sgt, %jit3A_605, %sign3A_614 : i32
        %sign3A_616 = arith.extui %sign3A_615 : i1 to i32
        %sign3A_617 = arith.constant 0 : i32
        %sign3A_618 = arith.cmpi slt, %jit3A_605, %sign3A_617 : i32
        %sign3A_619 = arith.extui %sign3A_618 : i1 to i32
        %sign3A_620 = arith.subi %sign3A_616, %sign3A_619 : i32
        %ne3A_621 = arith.cmpi ne, %sign3A_613, %sign3A_620 : i32
        %rem3A_622 = arith.remsi %sub3A_604, %jit3A_605 : i32
        %ne3A_623 = arith.constant 0 : i32
        %ne3A_624 = arith.cmpi ne, %rem3A_622, %ne3A_623 : i32
        %and3A_625 = arith.andi %ne3A_621, %ne3A_624 : i1
        %sub3A_626 = arith.constant 1 : i32
        %sub3A_627 = arith.subi %div3A_606, %sub3A_626 : i32
        %select_n3A_628 = arith.select %and3A_625, %sub3A_627, %div3A_606 : i32
        %jit3A_629 = arith.constant 5 : i32
        %eq3A_630 = arith.constant 0 : i32
        %eq3A_631 = arith.cmpi eq, %jit3A_629, %eq3A_630 : i32
        %jit3A_632 = arith.constant 1 : i32
        %select_n3A_633 = arith.select %eq3A_631, %jit3A_632, %jit3A_629 : i32
        %rem3A_634 = arith.remsi %sub3A_604, %select_n3A_633 : i32
        %ne3A_635 = arith.constant 0 : i32
        %ne3A_636 = arith.cmpi ne, %rem3A_634, %ne3A_635 : i32
        %lt3A_637 = arith.constant 0 : i32
        %lt3A_638 = arith.cmpi slt, %rem3A_634, %lt3A_637 : i32
        %lt3A_639 = arith.constant 0 : i32
        %lt3A_640 = arith.cmpi slt, %select_n3A_633, %lt3A_639 : i32
        %ne3A_641 = arith.xori %lt3A_638, %lt3A_640 : i1
        %and3A_642 = arith.andi %ne3A_641, %ne3A_636 : i1
        %add3A_643 = arith.addi %rem3A_634, %select_n3A_633 : i32
        %select_n3A_644 = arith.select %and3A_642, %add3A_643, %rem3A_634 : i32
        %mul3A_645 = arith.constant 200 : i32
        %mul3A_646 = arith.muli %select_n3A_644, %mul3A_645 : i32
        %mul3A_647 = arith.constant 128 : i32
        %mul3A_648 = arith.muli %select_n3A_628, %mul3A_647 : i32
        %add3A_649 = arith.constant 0 : i32
        %add3A_650 = arith.addi %mul3A_648, %add3A_649 : i32
        %get3A_651 = arith.index_cast %add3A_650 : i32 to index
        %get3A_652 = tpu.vector_load %arg4[%get3A_651] {strides = array<i32>} : memref<512xi32, #tpu.memory_space<vmem>>, vector<16xi32>,
        %sub3A_653 = vector.broadcast %mul3A_646 : i32 to vector<16xi32>
        %sub3A_654 = arith.subi %get3A_652, %sub3A_653 : vector<16xi32>
        %ge3A_655 = arith.constant 0 : i32
        %ge3A_656 = vector.broadcast %ge3A_655 : i32 to vector<16xi32>
        %ge3A_657 = arith.cmpi sge, %sub3A_654, %ge3A_656 : vector<16xi32>
        %lt3A_658 = arith.constant 200 : i32
        %lt3A_659 = vector.broadcast %lt3A_658 : i32 to vector<16xi32>
        %lt3A_660 = arith.cmpi slt, %sub3A_654, %lt3A_659 : vector<16xi32>
        %and3A_661 = arith.andi %ge3A_657, %lt3A_660 : vector<16xi1>
        %jit3A_662 = arith.constant 0 : i32
        %broadcast_in_dim3A_663 = vector.broadcast %jit3A_662 : i32 to vector<16xi32>
        %select_n3A_664 = arith.select %and3A_661, %sub3A_654, %broadcast_in_dim3A_663 : vector<16xi1>, vector<16xi32>
        %add3A_665 = arith.constant 0 : i32
        %add3A_666 = vector.broadcast %add3A_665 : i32 to vector<16xi32>
        %add3A_667 = arith.addi %iota3A, %add3A_666 : vector<16xi32>
        tpu.vector_store_idx %arg6[%select_n3A_664, %add3A_667], %broadcast_in_dim3A_6 masked %and3A_661 : memref<200x128xf32, #tpu.memory_space<vmem>>[vector<16xi32>, vector<16xi32>], vector<16xf32>, vector<16xi1>
        %mul3A_668 = arith.constant 128 : i32
        %mul3A_669 = arith.muli %select_n3A_628, %mul3A_668 : i32
        %add3A_670 = arith.constant 16 : i32
        %add3A_671 = arith.addi %mul3A_669, %add3A_670 : i32
        %get3A_672 = arith.index_cast %add3A_671 : i32 to index
        %get3A_673 = tpu.vector_load %arg4[%get3A_672] {strides = array<i32>} : memref<512xi32, #tpu.memory_space<vmem>>, vector<16xi32>,
        %sub3A_674 = vector.broadcast %mul3A_646 : i32 to vector<16xi32>
        %sub3A_675 = arith.subi %get3A_673, %sub3A_674 : vector<16xi32>
        %ge3A_676 = arith.constant 0 : i32
        %ge3A_677 = vector.broadcast %ge3A_676 : i32 to vector<16xi32>
        %ge3A_678 = arith.cmpi sge, %sub3A_675, %ge3A_677 : vector<16xi32>
        %lt3A_679 = arith.constant 200 : i32
        %lt3A_680 = vector.broadcast %lt3A_679 : i32 to vector<16xi32>
        %lt3A_681 = arith.cmpi slt, %sub3A_675, %lt3A_680 : vector<16xi32>
        %and3A_682 = arith.andi %ge3A_678, %lt3A_681 : vector<16xi1>
        %jit3A_683 = arith.constant 0 : i32
        %broadcast_in_dim3A_684 = vector.broadcast %jit3A_683 : i32 to vector<16xi32>
        %select_n3A_685 = arith.select %and3A_682, %sub3A_675, %broadcast_in_dim3A_684 : vector<16xi1>, vector<16xi32>
        %add3A_686 = arith.constant 16 : i32
        %add3A_687 = vector.broadcast %add3A_686 : i32 to vector<16xi32>
        %add3A_688 = arith.addi %iota3A, %add3A_687 : vector<16xi32>
        tpu.vector_store_idx %arg6[%select_n3A_685, %add3A_688], %broadcast_in_dim3A_6 masked %and3A_682 : memref<200x128xf32, #tpu.memory_space<vmem>>[vector<16xi32>, vector<16xi32>], vector<16xf32>, vector<16xi1>
        %mul3A_689 = arith.constant 128 : i32
        %mul3A_690 = arith.muli %select_n3A_628, %mul3A_689 : i32
        %add3A_691 = arith.constant 32 : i32
        %add3A_692 = arith.addi %mul3A_690, %add3A_691 : i32
        %get3A_693 = arith.index_cast %add3A_692 : i32 to index
        %get3A_694 = tpu.vector_load %arg4[%get3A_693] {strides = array<i32>} : memref<512xi32, #tpu.memory_space<vmem>>, vector<16xi32>,
        %sub3A_695 = vector.broadcast %mul3A_646 : i32 to vector<16xi32>
        %sub3A_696 = arith.subi %get3A_694, %sub3A_695 : vector<16xi32>
        %ge3A_697 = arith.constant 0 : i32
        %ge3A_698 = vector.broadcast %ge3A_697 : i32 to vector<16xi32>
        %ge3A_699 = arith.cmpi sge, %sub3A_696, %ge3A_698 : vector<16xi32>
        %lt3A_700 = arith.constant 200 : i32
        %lt3A_701 = vector.broadcast %lt3A_700 : i32 to vector<16xi32>
        %lt3A_702 = arith.cmpi slt, %sub3A_696, %lt3A_701 : vector<16xi32>
        %and3A_703 = arith.andi %ge3A_699, %lt3A_702 : vector<16xi1>
        %jit3A_704 = arith.constant 0 : i32
        %broadcast_in_dim3A_705 = vector.broadcast %jit3A_704 : i32 to vector<16xi32>
        %select_n3A_706 = arith.select %and3A_703, %sub3A_696, %broadcast_in_dim3A_705 : vector<16xi1>, vector<16xi32>
        %add3A_707 = arith.constant 32 : i32
        %add3A_708 = vector.broadcast %add3A_707 : i32 to vector<16xi32>
        %add3A_709 = arith.addi %iota3A, %add3A_708 : vector<16xi32>
        tpu.vector_store_idx %arg6[%select_n3A_706, %add3A_709], %broadcast_in_dim3A_6 masked %and3A_703 : memref<200x128xf32, #tpu.memory_space<vmem>>[vector<16xi32>, vector<16xi32>], vector<16xf32>, vector<16xi1>
        %mul3A_710 = arith.constant 128 : i32
        %mul3A_711 = arith.muli %select_n3A_628, %mul3A_710 : i32
        %add3A_712 = arith.constant 48 : i32
        %add3A_713 = arith.addi %mul3A_711, %add3A_712 : i32
        %get3A_714 = arith.index_cast %add3A_713 : i32 to index
        %get3A_715 = tpu.vector_load %arg4[%get3A_714] {strides = array<i32>} : memref<512xi32, #tpu.memory_space<vmem>>, vector<16xi32>,
        %sub3A_716 = vector.broadcast %mul3A_646 : i32 to vector<16xi32>
        %sub3A_717 = arith.subi %get3A_715, %sub3A_716 : vector<16xi32>
        %ge3A_718 = arith.constant 0 : i32
        %ge3A_719 = vector.broadcast %ge3A_718 : i32 to vector<16xi32>
        %ge3A_720 = arith.cmpi sge, %sub3A_717, %ge3A_719 : vector<16xi32>
        %lt3A_721 = arith.constant 200 : i32
        %lt3A_722 = vector.broadcast %lt3A_721 : i32 to vector<16xi32>
        %lt3A_723 = arith.cmpi slt, %sub3A_717, %lt3A_722 : vector<16xi32>
        %and3A_724 = arith.andi %ge3A_720, %lt3A_723 : vector<16xi1>
        %jit3A_725 = arith.constant 0 : i32
        %broadcast_in_dim3A_726 = vector.broadcast %jit3A_725 : i32 to vector<16xi32>
        %select_n3A_727 = arith.select %and3A_724, %sub3A_717, %broadcast_in_dim3A_726 : vector<16xi1>, vector<16xi32>
        %add3A_728 = arith.constant 48 : i32
        %add3A_729 = vector.broadcast %add3A_728 : i32 to vector<16xi32>
        %add3A_730 = arith.addi %iota3A, %add3A_729 : vector<16xi32>
        tpu.vector_store_idx %arg6[%select_n3A_727, %add3A_730], %broadcast_in_dim3A_6 masked %and3A_724 : memref<200x128xf32, #tpu.memory_space<vmem>>[vector<16xi32>, vector<16xi32>], vector<16xf32>, vector<16xi1>
        %mul3A_731 = arith.constant 128 : i32
        %mul3A_732 = arith.muli %select_n3A_628, %mul3A_731 : i32
        %add3A_733 = arith.constant 64 : i32
        %add3A_734 = arith.addi %mul3A_732, %add3A_733 : i32
        %get3A_735 = arith.index_cast %add3A_734 : i32 to index
        %get3A_736 = tpu.vector_load %arg4[%get3A_735] {strides = array<i32>} : memref<512xi32, #tpu.memory_space<vmem>>, vector<16xi32>,
        %sub3A_737 = vector.broadcast %mul3A_646 : i32 to vector<16xi32>
        %sub3A_738 = arith.subi %get3A_736, %sub3A_737 : vector<16xi32>
        %ge3A_739 = arith.constant 0 : i32
        %ge3A_740 = vector.broadcast %ge3A_739 : i32 to vector<16xi32>
        %ge3A_741 = arith.cmpi sge, %sub3A_738, %ge3A_740 : vector<16xi32>
        %lt3A_742 = arith.constant 200 : i32
        %lt3A_743 = vector.broadcast %lt3A_742 : i32 to vector<16xi32>
        %lt3A_744 = arith.cmpi slt, %sub3A_738, %lt3A_743 : vector<16xi32>
        %and3A_745 = arith.andi %ge3A_741, %lt3A_744 : vector<16xi1>
        %jit3A_746 = arith.constant 0 : i32
        %broadcast_in_dim3A_747 = vector.broadcast %jit3A_746 : i32 to vector<16xi32>
        %select_n3A_748 = arith.select %and3A_745, %sub3A_738, %broadcast_in_dim3A_747 : vector<16xi1>, vector<16xi32>
        %add3A_749 = arith.constant 64 : i32
        %add3A_750 = vector.broadcast %add3A_749 : i32 to vector<16xi32>
        %add3A_751 = arith.addi %iota3A, %add3A_750 : vector<16xi32>
        tpu.vector_store_idx %arg6[%select_n3A_748, %add3A_751], %broadcast_in_dim3A_6 masked %and3A_745 : memref<200x128xf32, #tpu.memory_space<vmem>>[vector<16xi32>, vector<16xi32>], vector<16xf32>, vector<16xi1>
        %mul3A_752 = arith.constant 128 : i32
        %mul3A_753 = arith.muli %select_n3A_628, %mul3A_752 : i32
        %add3A_754 = arith.constant 80 : i32
        %add3A_755 = arith.addi %mul3A_753, %add3A_754 : i32
        %get3A_756 = arith.index_cast %add3A_755 : i32 to index
        %get3A_757 = tpu.vector_load %arg4[%get3A_756] {strides = array<i32>} : memref<512xi32, #tpu.memory_space<vmem>>, vector<16xi32>,
        %sub3A_758 = vector.broadcast %mul3A_646 : i32 to vector<16xi32>
        %sub3A_759 = arith.subi %get3A_757, %sub3A_758 : vector<16xi32>
        %ge3A_760 = arith.constant 0 : i32
        %ge3A_761 = vector.broadcast %ge3A_760 : i32 to vector<16xi32>
        %ge3A_762 = arith.cmpi sge, %sub3A_759, %ge3A_761 : vector<16xi32>
        %lt3A_763 = arith.constant 200 : i32
        %lt3A_764 = vector.broadcast %lt3A_763 : i32 to vector<16xi32>
        %lt3A_765 = arith.cmpi slt, %sub3A_759, %lt3A_764 : vector<16xi32>
        %and3A_766 = arith.andi %ge3A_762, %lt3A_765 : vector<16xi1>
        %jit3A_767 = arith.constant 0 : i32
        %broadcast_in_dim3A_768 = vector.broadcast %jit3A_767 : i32 to vector<16xi32>
        %select_n3A_769 = arith.select %and3A_766, %sub3A_759, %broadcast_in_dim3A_768 : vector<16xi1>, vector<16xi32>
        %add3A_770 = arith.constant 80 : i32
        %add3A_771 = vector.broadcast %add3A_770 : i32 to vector<16xi32>
        %add3A_772 = arith.addi %iota3A, %add3A_771 : vector<16xi32>
        tpu.vector_store_idx %arg6[%select_n3A_769, %add3A_772], %broadcast_in_dim3A_6 masked %and3A_766 : memref<200x128xf32, #tpu.memory_space<vmem>>[vector<16xi32>, vector<16xi32>], vector<16xf32>, vector<16xi1>
        %mul3A_773 = arith.constant 128 : i32
        %mul3A_774 = arith.muli %select_n3A_628, %mul3A_773 : i32
        %add3A_775 = arith.constant 96 : i32
        %add3A_776 = arith.addi %mul3A_774, %add3A_775 : i32
        %get3A_777 = arith.index_cast %add3A_776 : i32 to index
        %get3A_778 = tpu.vector_load %arg4[%get3A_777] {strides = array<i32>} : memref<512xi32, #tpu.memory_space<vmem>>, vector<16xi32>,
        %sub3A_779 = vector.broadcast %mul3A_646 : i32 to vector<16xi32>
        %sub3A_780 = arith.subi %get3A_778, %sub3A_779 : vector<16xi32>
        %ge3A_781 = arith.constant 0 : i32
        %ge3A_782 = vector.broadcast %ge3A_781 : i32 to vector<16xi32>
        %ge3A_783 = arith.cmpi sge, %sub3A_780, %ge3A_782 : vector<16xi32>
        %lt3A_784 = arith.constant 200 : i32
        %lt3A_785 = vector.broadcast %lt3A_784 : i32 to vector<16xi32>
        %lt3A_786 = arith.cmpi slt, %sub3A_780, %lt3A_785 : vector<16xi32>
        %and3A_787 = arith.andi %ge3A_783, %lt3A_786 : vector<16xi1>
        %jit3A_788 = arith.constant 0 : i32
        %broadcast_in_dim3A_789 = vector.broadcast %jit3A_788 : i32 to vector<16xi32>
        %select_n3A_790 = arith.select %and3A_787, %sub3A_780, %broadcast_in_dim3A_789 : vector<16xi1>, vector<16xi32>
        %add3A_791 = arith.constant 96 : i32
        %add3A_792 = vector.broadcast %add3A_791 : i32 to vector<16xi32>
        %add3A_793 = arith.addi %iota3A, %add3A_792 : vector<16xi32>
        tpu.vector_store_idx %arg6[%select_n3A_790, %add3A_793], %broadcast_in_dim3A_6 masked %and3A_787 : memref<200x128xf32, #tpu.memory_space<vmem>>[vector<16xi32>, vector<16xi32>], vector<16xf32>, vector<16xi1>
        %mul3A_794 = arith.constant 128 : i32
        %mul3A_795 = arith.muli %select_n3A_628, %mul3A_794 : i32
        %add3A_796 = arith.constant 112 : i32
        %add3A_797 = arith.addi %mul3A_795, %add3A_796 : i32
        %get3A_798 = arith.index_cast %add3A_797 : i32 to index
        %get3A_799 = tpu.vector_load %arg4[%get3A_798] {strides = array<i32>} : memref<512xi32, #tpu.memory_space<vmem>>, vector<16xi32>,
        %sub3A_800 = vector.broadcast %mul3A_646 : i32 to vector<16xi32>
        %sub3A_801 = arith.subi %get3A_799, %sub3A_800 : vector<16xi32>
        %ge3A_802 = arith.constant 0 : i32
        %ge3A_803 = vector.broadcast %ge3A_802 : i32 to vector<16xi32>
        %ge3A_804 = arith.cmpi sge, %sub3A_801, %ge3A_803 : vector<16xi32>
        %lt3A_805 = arith.constant 200 : i32
        %lt3A_806 = vector.broadcast %lt3A_805 : i32 to vector<16xi32>
        %lt3A_807 = arith.cmpi slt, %sub3A_801, %lt3A_806 : vector<16xi32>
        %and3A_808 = arith.andi %ge3A_804, %lt3A_807 : vector<16xi1>
        %jit3A_809 = arith.constant 0 : i32
        %broadcast_in_dim3A_810 = vector.broadcast %jit3A_809 : i32 to vector<16xi32>
        %select_n3A_811 = arith.select %and3A_808, %sub3A_801, %broadcast_in_dim3A_810 : vector<16xi1>, vector<16xi32>
        %add3A_812 = arith.constant 112 : i32
        %add3A_813 = vector.broadcast %add3A_812 : i32 to vector<16xi32>
        %add3A_814 = arith.addi %iota3A, %add3A_813 : vector<16xi32>
        tpu.vector_store_idx %arg6[%select_n3A_811, %add3A_814], %broadcast_in_dim3A_6 masked %and3A_808 : memref<200x128xf32, #tpu.memory_space<vmem>>[vector<16xi32>, vector<16xi32>], vector<16xf32>, vector<16xi1>
      } else {
      }
      %jit3A_295 = arith.constant 5 : i32
      %div3A_296 = arith.divsi %add3A_289, %jit3A_295 : i32
      %sign3A_297 = arith.constant 0 : i32
      %sign3A_298 = arith.cmpi sgt, %add3A_289, %sign3A_297 : i32
      %sign3A_299 = arith.extui %sign3A_298 : i1 to i32
      %sign3A_300 = arith.constant 0 : i32
      %sign3A_301 = arith.cmpi slt, %add3A_289, %sign3A_300 : i32
      %sign3A_302 = arith.extui %sign3A_301 : i1 to i32
      %sign3A_303 = arith.subi %sign3A_299, %sign3A_302 : i32
      %sign3A_304 = arith.constant 0 : i32
      %sign3A_305 = arith.cmpi sgt, %jit3A_295, %sign3A_304 : i32
      %sign3A_306 = arith.extui %sign3A_305 : i1 to i32
      %sign3A_307 = arith.constant 0 : i32
      %sign3A_308 = arith.cmpi slt, %jit3A_295, %sign3A_307 : i32
      %sign3A_309 = arith.extui %sign3A_308 : i1 to i32
      %sign3A_310 = arith.subi %sign3A_306, %sign3A_309 : i32
      %ne3A_311 = arith.cmpi ne, %sign3A_303, %sign3A_310 : i32
      %rem3A_312 = arith.remsi %add3A_289, %jit3A_295 : i32
      %ne3A_313 = arith.constant 0 : i32
      %ne3A_314 = arith.cmpi ne, %rem3A_312, %ne3A_313 : i32
      %and3A_315 = arith.andi %ne3A_311, %ne3A_314 : i1
      %sub3A_316 = arith.constant 1 : i32
      %sub3A_317 = arith.subi %div3A_296, %sub3A_316 : i32
      %select_n3A_318 = arith.select %and3A_315, %sub3A_317, %div3A_296 : i32
      %jit3A_319 = arith.constant 5 : i32
      %eq3A_320 = arith.constant 0 : i32
      %eq3A_321 = arith.cmpi eq, %jit3A_319, %eq3A_320 : i32
      %jit3A_322 = arith.constant 1 : i32
      %select_n3A_323 = arith.select %eq3A_321, %jit3A_322, %jit3A_319 : i32
      %rem3A_324 = arith.remsi %add3A_289, %select_n3A_323 : i32
      %ne3A_325 = arith.constant 0 : i32
      %ne3A_326 = arith.cmpi ne, %rem3A_324, %ne3A_325 : i32
      %lt3A_327 = arith.constant 0 : i32
      %lt3A_328 = arith.cmpi slt, %rem3A_324, %lt3A_327 : i32
      %lt3A_329 = arith.constant 0 : i32
      %lt3A_330 = arith.cmpi slt, %select_n3A_323, %lt3A_329 : i32
      %ne3A_331 = arith.xori %lt3A_328, %lt3A_330 : i1
      %and3A_332 = arith.andi %ne3A_331, %ne3A_326 : i1
      %add3A_333 = arith.addi %rem3A_324, %select_n3A_323 : i32
      %select_n3A_334 = arith.select %and3A_332, %add3A_333, %rem3A_324 : i32
      %mul3A_335 = arith.constant 200 : i32
      %mul3A_336 = arith.muli %select_n3A_334, %mul3A_335 : i32
      %mul3A_337 = arith.constant 128 : i32
      %mul3A_338 = arith.muli %select_n3A_318, %mul3A_337 : i32
      %add3A_339 = arith.constant 0 : i32
      %add3A_340 = arith.addi %mul3A_338, %add3A_339 : i32
      %get3A_341 = arith.index_cast %add3A_340 : i32 to index
      %get3A_342 = tpu.vector_load %arg4[%get3A_341] {strides = array<i32>} : memref<512xi32, #tpu.memory_space<vmem>>, vector<16xi32>,
      %sub3A_343 = vector.broadcast %mul3A_336 : i32 to vector<16xi32>
      %sub3A_344 = arith.subi %get3A_342, %sub3A_343 : vector<16xi32>
      %ge3A_345 = arith.constant 0 : i32
      %ge3A_346 = vector.broadcast %ge3A_345 : i32 to vector<16xi32>
      %ge3A_347 = arith.cmpi sge, %sub3A_344, %ge3A_346 : vector<16xi32>
      %lt3A_348 = arith.constant 200 : i32
      %lt3A_349 = vector.broadcast %lt3A_348 : i32 to vector<16xi32>
      %lt3A_350 = arith.cmpi slt, %sub3A_344, %lt3A_349 : vector<16xi32>
      %and3A_351 = arith.andi %ge3A_347, %lt3A_350 : vector<16xi1>
      %jit3A_352 = arith.constant 0 : i32
      %broadcast_in_dim3A_353 = vector.broadcast %jit3A_352 : i32 to vector<16xi32>
      %select_n3A_354 = arith.select %and3A_351, %sub3A_344, %broadcast_in_dim3A_353 : vector<16xi1>, vector<16xi32>
      %add3A_355 = arith.constant 0 : i32
      %add3A_356 = vector.broadcast %add3A_355 : i32 to vector<16xi32>
      %add3A_357 = arith.addi %iota3A, %add3A_356 : vector<16xi32>
      tpu.vector_store_idx %arg6[%select_n3A_354, %add3A_357], %broadcast_in_dim3A_4 masked %and3A_351 : memref<200x128xf32, #tpu.memory_space<vmem>>[vector<16xi32>, vector<16xi32>], vector<16xf32>, vector<16xi1>
      %mul3A_358 = arith.constant 128 : i32
      %mul3A_359 = arith.muli %select_n3A_318, %mul3A_358 : i32
      %add3A_360 = arith.constant 16 : i32
      %add3A_361 = arith.addi %mul3A_359, %add3A_360 : i32
      %get3A_362 = arith.index_cast %add3A_361 : i32 to index
      %get3A_363 = tpu.vector_load %arg4[%get3A_362] {strides = array<i32>} : memref<512xi32, #tpu.memory_space<vmem>>, vector<16xi32>,
      %sub3A_364 = vector.broadcast %mul3A_336 : i32 to vector<16xi32>
      %sub3A_365 = arith.subi %get3A_363, %sub3A_364 : vector<16xi32>
      %ge3A_366 = arith.constant 0 : i32
      %ge3A_367 = vector.broadcast %ge3A_366 : i32 to vector<16xi32>
      %ge3A_368 = arith.cmpi sge, %sub3A_365, %ge3A_367 : vector<16xi32>
      %lt3A_369 = arith.constant 200 : i32
      %lt3A_370 = vector.broadcast %lt3A_369 : i32 to vector<16xi32>
      %lt3A_371 = arith.cmpi slt, %sub3A_365, %lt3A_370 : vector<16xi32>
      %and3A_372 = arith.andi %ge3A_368, %lt3A_371 : vector<16xi1>
      %jit3A_373 = arith.constant 0 : i32
      %broadcast_in_dim3A_374 = vector.broadcast %jit3A_373 : i32 to vector<16xi32>
      %select_n3A_375 = arith.select %and3A_372, %sub3A_365, %broadcast_in_dim3A_374 : vector<16xi1>, vector<16xi32>
      %add3A_376 = arith.constant 16 : i32
      %add3A_377 = vector.broadcast %add3A_376 : i32 to vector<16xi32>
      %add3A_378 = arith.addi %iota3A, %add3A_377 : vector<16xi32>
      tpu.vector_store_idx %arg6[%select_n3A_375, %add3A_378], %broadcast_in_dim3A_4 masked %and3A_372 : memref<200x128xf32, #tpu.memory_space<vmem>>[vector<16xi32>, vector<16xi32>], vector<16xf32>, vector<16xi1>
      %mul3A_379 = arith.constant 128 : i32
      %mul3A_380 = arith.muli %select_n3A_318, %mul3A_379 : i32
      %add3A_381 = arith.constant 32 : i32
      %add3A_382 = arith.addi %mul3A_380, %add3A_381 : i32
      %get3A_383 = arith.index_cast %add3A_382 : i32 to index
      %get3A_384 = tpu.vector_load %arg4[%get3A_383] {strides = array<i32>} : memref<512xi32, #tpu.memory_space<vmem>>, vector<16xi32>,
      %sub3A_385 = vector.broadcast %mul3A_336 : i32 to vector<16xi32>
      %sub3A_386 = arith.subi %get3A_384, %sub3A_385 : vector<16xi32>
      %ge3A_387 = arith.constant 0 : i32
      %ge3A_388 = vector.broadcast %ge3A_387 : i32 to vector<16xi32>
      %ge3A_389 = arith.cmpi sge, %sub3A_386, %ge3A_388 : vector<16xi32>
      %lt3A_390 = arith.constant 200 : i32
      %lt3A_391 = vector.broadcast %lt3A_390 : i32 to vector<16xi32>
      %lt3A_392 = arith.cmpi slt, %sub3A_386, %lt3A_391 : vector<16xi32>
      %and3A_393 = arith.andi %ge3A_389, %lt3A_392 : vector<16xi1>
      %jit3A_394 = arith.constant 0 : i32
      %broadcast_in_dim3A_395 = vector.broadcast %jit3A_394 : i32 to vector<16xi32>
      %select_n3A_396 = arith.select %and3A_393, %sub3A_386, %broadcast_in_dim3A_395 : vector<16xi1>, vector<16xi32>
      %add3A_397 = arith.constant 32 : i32
      %add3A_398 = vector.broadcast %add3A_397 : i32 to vector<16xi32>
      %add3A_399 = arith.addi %iota3A, %add3A_398 : vector<16xi32>
      tpu.vector_store_idx %arg6[%select_n3A_396, %add3A_399], %broadcast_in_dim3A_4 masked %and3A_393 : memref<200x128xf32, #tpu.memory_space<vmem>>[vector<16xi32>, vector<16xi32>], vector<16xf32>, vector<16xi1>
      %mul3A_400 = arith.constant 128 : i32
      %mul3A_401 = arith.muli %select_n3A_318, %mul3A_400 : i32
      %add3A_402 = arith.constant 48 : i32
      %add3A_403 = arith.addi %mul3A_401, %add3A_402 : i32
      %get3A_404 = arith.index_cast %add3A_403 : i32 to index
      %get3A_405 = tpu.vector_load %arg4[%get3A_404] {strides = array<i32>} : memref<512xi32, #tpu.memory_space<vmem>>, vector<16xi32>,
      %sub3A_406 = vector.broadcast %mul3A_336 : i32 to vector<16xi32>
      %sub3A_407 = arith.subi %get3A_405, %sub3A_406 : vector<16xi32>
      %ge3A_408 = arith.constant 0 : i32
      %ge3A_409 = vector.broadcast %ge3A_408 : i32 to vector<16xi32>
      %ge3A_410 = arith.cmpi sge, %sub3A_407, %ge3A_409 : vector<16xi32>
      %lt3A_411 = arith.constant 200 : i32
      %lt3A_412 = vector.broadcast %lt3A_411 : i32 to vector<16xi32>
      %lt3A_413 = arith.cmpi slt, %sub3A_407, %lt3A_412 : vector<16xi32>
      %and3A_414 = arith.andi %ge3A_410, %lt3A_413 : vector<16xi1>
      %jit3A_415 = arith.constant 0 : i32
      %broadcast_in_dim3A_416 = vector.broadcast %jit3A_415 : i32 to vector<16xi32>
      %select_n3A_417 = arith.select %and3A_414, %sub3A_407, %broadcast_in_dim3A_416 : vector<16xi1>, vector<16xi32>
      %add3A_418 = arith.constant 48 : i32
      %add3A_419 = vector.broadcast %add3A_418 : i32 to vector<16xi32>
      %add3A_420 = arith.addi %iota3A, %add3A_419 : vector<16xi32>
      tpu.vector_store_idx %arg6[%select_n3A_417, %add3A_420], %broadcast_in_dim3A_4 masked %and3A_414 : memref<200x128xf32, #tpu.memory_space<vmem>>[vector<16xi32>, vector<16xi32>], vector<16xf32>, vector<16xi1>
      %mul3A_421 = arith.constant 128 : i32
      %mul3A_422 = arith.muli %select_n3A_318, %mul3A_421 : i32
      %add3A_423 = arith.constant 64 : i32
      %add3A_424 = arith.addi %mul3A_422, %add3A_423 : i32
      %get3A_425 = arith.index_cast %add3A_424 : i32 to index
      %get3A_426 = tpu.vector_load %arg4[%get3A_425] {strides = array<i32>} : memref<512xi32, #tpu.memory_space<vmem>>, vector<16xi32>,
      %sub3A_427 = vector.broadcast %mul3A_336 : i32 to vector<16xi32>
      %sub3A_428 = arith.subi %get3A_426, %sub3A_427 : vector<16xi32>
      %ge3A_429 = arith.constant 0 : i32
      %ge3A_430 = vector.broadcast %ge3A_429 : i32 to vector<16xi32>
      %ge3A_431 = arith.cmpi sge, %sub3A_428, %ge3A_430 : vector<16xi32>
      %lt3A_432 = arith.constant 200 : i32
      %lt3A_433 = vector.broadcast %lt3A_432 : i32 to vector<16xi32>
      %lt3A_434 = arith.cmpi slt, %sub3A_428, %lt3A_433 : vector<16xi32>
      %and3A_435 = arith.andi %ge3A_431, %lt3A_434 : vector<16xi1>
      %jit3A_436 = arith.constant 0 : i32
      %broadcast_in_dim3A_437 = vector.broadcast %jit3A_436 : i32 to vector<16xi32>
      %select_n3A_438 = arith.select %and3A_435, %sub3A_428, %broadcast_in_dim3A_437 : vector<16xi1>, vector<16xi32>
      %add3A_439 = arith.constant 64 : i32
      %add3A_440 = vector.broadcast %add3A_439 : i32 to vector<16xi32>
      %add3A_441 = arith.addi %iota3A, %add3A_440 : vector<16xi32>
      tpu.vector_store_idx %arg6[%select_n3A_438, %add3A_441], %broadcast_in_dim3A_4 masked %and3A_435 : memref<200x128xf32, #tpu.memory_space<vmem>>[vector<16xi32>, vector<16xi32>], vector<16xf32>, vector<16xi1>
      %mul3A_442 = arith.constant 128 : i32
      %mul3A_443 = arith.muli %select_n3A_318, %mul3A_442 : i32
      %add3A_444 = arith.constant 80 : i32
      %add3A_445 = arith.addi %mul3A_443, %add3A_444 : i32
      %get3A_446 = arith.index_cast %add3A_445 : i32 to index
      %get3A_447 = tpu.vector_load %arg4[%get3A_446] {strides = array<i32>} : memref<512xi32, #tpu.memory_space<vmem>>, vector<16xi32>,
      %sub3A_448 = vector.broadcast %mul3A_336 : i32 to vector<16xi32>
      %sub3A_449 = arith.subi %get3A_447, %sub3A_448 : vector<16xi32>
      %ge3A_450 = arith.constant 0 : i32
      %ge3A_451 = vector.broadcast %ge3A_450 : i32 to vector<16xi32>
      %ge3A_452 = arith.cmpi sge, %sub3A_449, %ge3A_451 : vector<16xi32>
      %lt3A_453 = arith.constant 200 : i32
      %lt3A_454 = vector.broadcast %lt3A_453 : i32 to vector<16xi32>
      %lt3A_455 = arith.cmpi slt, %sub3A_449, %lt3A_454 : vector<16xi32>
      %and3A_456 = arith.andi %ge3A_452, %lt3A_455 : vector<16xi1>
      %jit3A_457 = arith.constant 0 : i32
      %broadcast_in_dim3A_458 = vector.broadcast %jit3A_457 : i32 to vector<16xi32>
      %select_n3A_459 = arith.select %and3A_456, %sub3A_449, %broadcast_in_dim3A_458 : vector<16xi1>, vector<16xi32>
      %add3A_460 = arith.constant 80 : i32
      %add3A_461 = vector.broadcast %add3A_460 : i32 to vector<16xi32>
      %add3A_462 = arith.addi %iota3A, %add3A_461 : vector<16xi32>
      tpu.vector_store_idx %arg6[%select_n3A_459, %add3A_462], %broadcast_in_dim3A_4 masked %and3A_456 : memref<200x128xf32, #tpu.memory_space<vmem>>[vector<16xi32>, vector<16xi32>], vector<16xf32>, vector<16xi1>
      %mul3A_463 = arith.constant 128 : i32
      %mul3A_464 = arith.muli %select_n3A_318, %mul3A_463 : i32
      %add3A_465 = arith.constant 96 : i32
      %add3A_466 = arith.addi %mul3A_464, %add3A_465 : i32
      %get3A_467 = arith.index_cast %add3A_466 : i32 to index
      %get3A_468 = tpu.vector_load %arg4[%get3A_467] {strides = array<i32>} : memref<512xi32, #tpu.memory_space<vmem>>, vector<16xi32>,
      %sub3A_469 = vector.broadcast %mul3A_336 : i32 to vector<16xi32>
      %sub3A_470 = arith.subi %get3A_468, %sub3A_469 : vector<16xi32>
      %ge3A_471 = arith.constant 0 : i32
      %ge3A_472 = vector.broadcast %ge3A_471 : i32 to vector<16xi32>
      %ge3A_473 = arith.cmpi sge, %sub3A_470, %ge3A_472 : vector<16xi32>
      %lt3A_474 = arith.constant 200 : i32
      %lt3A_475 = vector.broadcast %lt3A_474 : i32 to vector<16xi32>
      %lt3A_476 = arith.cmpi slt, %sub3A_470, %lt3A_475 : vector<16xi32>
      %and3A_477 = arith.andi %ge3A_473, %lt3A_476 : vector<16xi1>
      %jit3A_478 = arith.constant 0 : i32
      %broadcast_in_dim3A_479 = vector.broadcast %jit3A_478 : i32 to vector<16xi32>
      %select_n3A_480 = arith.select %and3A_477, %sub3A_470, %broadcast_in_dim3A_479 : vector<16xi1>, vector<16xi32>
      %add3A_481 = arith.constant 96 : i32
      %add3A_482 = vector.broadcast %add3A_481 : i32 to vector<16xi32>
      %add3A_483 = arith.addi %iota3A, %add3A_482 : vector<16xi32>
      tpu.vector_store_idx %arg6[%select_n3A_480, %add3A_483], %broadcast_in_dim3A_4 masked %and3A_477 : memref<200x128xf32, #tpu.memory_space<vmem>>[vector<16xi32>, vector<16xi32>], vector<16xf32>, vector<16xi1>
      %mul3A_484 = arith.constant 128 : i32
      %mul3A_485 = arith.muli %select_n3A_318, %mul3A_484 : i32
      %add3A_486 = arith.constant 112 : i32
      %add3A_487 = arith.addi %mul3A_485, %add3A_486 : i32
      %get3A_488 = arith.index_cast %add3A_487 : i32 to index
      %get3A_489 = tpu.vector_load %arg4[%get3A_488] {strides = array<i32>} : memref<512xi32, #tpu.memory_space<vmem>>, vector<16xi32>,
      %sub3A_490 = vector.broadcast %mul3A_336 : i32 to vector<16xi32>
      %sub3A_491 = arith.subi %get3A_489, %sub3A_490 : vector<16xi32>
      %ge3A_492 = arith.constant 0 : i32
      %ge3A_493 = vector.broadcast %ge3A_492 : i32 to vector<16xi32>
      %ge3A_494 = arith.cmpi sge, %sub3A_491, %ge3A_493 : vector<16xi32>
      %lt3A_495 = arith.constant 200 : i32
      %lt3A_496 = vector.broadcast %lt3A_495 : i32 to vector<16xi32>
      %lt3A_497 = arith.cmpi slt, %sub3A_491, %lt3A_496 : vector<16xi32>
      %and3A_498 = arith.andi %ge3A_494, %lt3A_497 : vector<16xi1>
      %jit3A_499 = arith.constant 0 : i32
      %broadcast_in_dim3A_500 = vector.broadcast %jit3A_499 : i32 to vector<16xi32>
      %select_n3A_501 = arith.select %and3A_498, %sub3A_491, %broadcast_in_dim3A_500 : vector<16xi1>, vector<16xi32>
      %add3A_502 = arith.constant 112 : i32
      %add3A_503 = vector.broadcast %add3A_502 : i32 to vector<16xi32>
      %add3A_504 = arith.addi %iota3A, %add3A_503 : vector<16xi32>
      tpu.vector_store_idx %arg6[%select_n3A_501, %add3A_504], %broadcast_in_dim3A_4 masked %and3A_498 : memref<200x128xf32, #tpu.memory_space<vmem>>[vector<16xi32>, vector<16xi32>], vector<16xf32>, vector<16xi1>
      %jit3A_505 = arith.constant 5 : i32
      %div3A_506 = arith.divsi %add3A_289, %jit3A_505 : i32
      %sign3A_507 = arith.constant 0 : i32
      %sign3A_508 = arith.cmpi sgt, %add3A_289, %sign3A_507 : i32
      %sign3A_509 = arith.extui %sign3A_508 : i1 to i32
      %sign3A_510 = arith.constant 0 : i32
      %sign3A_511 = arith.cmpi slt, %add3A_289, %sign3A_510 : i32
      %sign3A_512 = arith.extui %sign3A_511 : i1 to i32
      %sign3A_513 = arith.subi %sign3A_509, %sign3A_512 : i32
      %sign3A_514 = arith.constant 0 : i32
      %sign3A_515 = arith.cmpi sgt, %jit3A_505, %sign3A_514 : i32
      %sign3A_516 = arith.extui %sign3A_515 : i1 to i32
      %sign3A_517 = arith.constant 0 : i32
      %sign3A_518 = arith.cmpi slt, %jit3A_505, %sign3A_517 : i32
      %sign3A_519 = arith.extui %sign3A_518 : i1 to i32
      %sign3A_520 = arith.subi %sign3A_516, %sign3A_519 : i32
      %ne3A_521 = arith.cmpi ne, %sign3A_513, %sign3A_520 : i32
      %rem3A_522 = arith.remsi %add3A_289, %jit3A_505 : i32
      %ne3A_523 = arith.constant 0 : i32
      %ne3A_524 = arith.cmpi ne, %rem3A_522, %ne3A_523 : i32
      %and3A_525 = arith.andi %ne3A_521, %ne3A_524 : i1
      %sub3A_526 = arith.constant 1 : i32
      %sub3A_527 = arith.subi %div3A_506, %sub3A_526 : i32
      %select_n3A_528 = arith.select %and3A_525, %sub3A_527, %div3A_506 : i32
      %jit3A_529 = arith.constant 5 : i32
      %eq3A_530 = arith.constant 0 : i32
      %eq3A_531 = arith.cmpi eq, %jit3A_529, %eq3A_530 : i32
      %jit3A_532 = arith.constant 1 : i32
      %select_n3A_533 = arith.select %eq3A_531, %jit3A_532, %jit3A_529 : i32
      %rem3A_534 = arith.remsi %add3A_289, %select_n3A_533 : i32
      %ne3A_535 = arith.constant 0 : i32
      %ne3A_536 = arith.cmpi ne, %rem3A_534, %ne3A_535 : i32
      %lt3A_537 = arith.constant 0 : i32
      %lt3A_538 = arith.cmpi slt, %rem3A_534, %lt3A_537 : i32
      %lt3A_539 = arith.constant 0 : i32
      %lt3A_540 = arith.cmpi slt, %select_n3A_533, %lt3A_539 : i32
      %ne3A_541 = arith.xori %lt3A_538, %lt3A_540 : i1
      %and3A_542 = arith.andi %ne3A_541, %ne3A_536 : i1
      %add3A_543 = arith.addi %rem3A_534, %select_n3A_533 : i32
      %select_n3A_544 = arith.select %and3A_542, %add3A_543, %rem3A_534 : i32
      %mul3A_545 = arith.constant 200 : i32
      %mul3A_546 = arith.muli %select_n3A_544, %mul3A_545 : i32
      %multiple_of3A_547 = tpu.assume_multiple %mul3A_546, 8 : i32
      %mul3A_548 = arith.constant 128 : i32
      %mul3A_549 = arith.muli %select_n3A_528, %mul3A_548 : i32
      %add3A_550 = arith.addi %mul3A_2, %mul3A_549 : i32
      %multiple_of3A_551 = tpu.assume_multiple %add3A_550, 128 : i32
      %dma_start3A_552 = tpu.memref_slice %arg3[%multiple_of3A_547, %multiple_of3A_551] : memref<1000x16384xf32, #tpu.memory_space<hbm>> -> memref<200x128xf32, #tpu.memory_space<hbm>>
      %dma_start3A_553 = tpu.memref_slice %arg3[%multiple_of3A_547, %multiple_of3A_551] : memref<1000x16384xf32, #tpu.memory_space<hbm>> -> memref<200x128xf32, #tpu.memory_space<hbm>>
      tpu.enqueue_dma source(%arg6 : memref<200x128xf32, #tpu.memory_space<vmem>>) target(%dma_start3A_553 : memref<200x128xf32, #tpu.memory_space<hbm>>) target_semaphore(%arg8 : memref<!tpu.dma_semaphore, #tpu.memory_space<semaphore_mem>>)
    }
    %scan3A_18 = arith.constant 10 : i32
    %multiple_of3A = arith.constant 600 : i32
    %multiple_of3A_19 = tpu.assume_multiple %multiple_of3A, 8 : i32
    %add3A_20 = arith.constant 384 : i32
    %add3A_21 = arith.addi %mul3A_2, %add3A_20 : i32
    %multiple_of3A_22 = tpu.assume_multiple %add3A_21, 128 : i32
    %dma_wait3A_23 = tpu.memref_slice %arg3[%multiple_of3A_19, %multiple_of3A_22] : memref<1000x16384xf32, #tpu.memory_space<hbm>> -> memref<200x128xf32, #tpu.memory_space<hbm>>
    %dma_wait3A_24 = tpu.memref_slice %arg3[%multiple_of3A_19, %multiple_of3A_22] : memref<1000x16384xf32, #tpu.memory_space<hbm>> -> memref<200x128xf32, #tpu.memory_space<hbm>>
    tpu.wait_dma2 semaphore(%arg7 : memref<!tpu.dma_semaphore, #tpu.memory_space<semaphore_mem>>) src(%arg5 : memref<200x128xf32, #tpu.memory_space<vmem>>) dst(%dma_wait3A_24 : memref<200x128xf32, #tpu.memory_space<hbm>>)
    %multiple_of3A_25 = arith.constant 800 : i32
    %multiple_of3A_26 = tpu.assume_multiple %multiple_of3A_25, 8 : i32
    %add3A_27 = arith.constant 384 : i32
    %add3A_28 = arith.addi %mul3A_2, %add3A_27 : i32
    %multiple_of3A_29 = tpu.assume_multiple %add3A_28, 128 : i32
    %dma_wait3A_30 = tpu.memref_slice %arg3[%multiple_of3A_26, %multiple_of3A_29] : memref<1000x16384xf32, #tpu.memory_space<hbm>> -> memref<200x128xf32, #tpu.memory_space<hbm>>
    %dma_wait3A_31 = tpu.memref_slice %arg3[%multiple_of3A_26, %multiple_of3A_29] : memref<1000x16384xf32, #tpu.memory_space<hbm>> -> memref<200x128xf32, #tpu.memory_space<hbm>>
    tpu.wait_dma2 semaphore(%arg8 : memref<!tpu.dma_semaphore, #tpu.memory_space<semaphore_mem>>) src(%arg6 : memref<200x128xf32, #tpu.memory_space<vmem>>) dst(%dma_wait3A_31 : memref<200x128xf32, #tpu.memory_space<hbm>>)
    return
  }
}

</mosaic_0001>

<sc_bundles>
// kernel: kernel.3.cloned.1.call-start
scs
__scs_entry_jumppad:
0x0: {  	(pc) =	sbr.rel $0x88, $3  }
0x1: {  	(tag) =	ssettag $0x0;
	lr =	simm.s32 $0x1  }
0x2: {  	[smem:$0x3FA0] =	sst lr;
	_ =	strace $0xD0000000  }
0x3: {  	_ = 	snop  }
0x4: {  	_ = 	snop  }
0x5: {  	_ = 	snop  }
0x6: {  	_ = 	snop  }
0x7: {  	_ = 	snop  }
__scs_overlays_trampoline_lowered:
0x8: {  	[smem:$0x3FAF] =	sst s0  }
0x9: {  	[smem:$0x3FB0] =	sst s1  }
0xa: {  	[smem:$0x3FB1] =	sst s2  }
0xb: {  	[smem:$0x3FB2] =	sst s3  }
0xc: {  	[smem:$0x3FB3] =	sst s4  }
0xd: {  	[smem:$0x3FB4] =	sst s5  }
0xe: {  	[smem:$0x3FB5] =	sst s6  }
0xf: {  	[smem:$0x3FB6] =	sst s7  }
0x10: {  	[smem:$0x3FB7] =	sst s8  }
0x11: {  	[smem:$0x3FB8] =	sst s9;
	s0 =	simm.s32 @!p0 $0x0  }
0x12: {  	s1 =	sld [smem:$0x3F9E];
	s0 =	simm.s32 @p0 $0x1  }
0x13: {  	[smem:$0x3FB9] =	sst s0;
	s0 =	simm.s32 @!p1 $0x0  }
0x14: {  	s2 =	sld [smem:$0x3F9D];
	s0 =	simm.s32 @p1 $0x1  }
0x15: {  	[smem:$0x3FBA] =	sst s0;
	s0 =	simm.s32 @!p2 $0x0  }
0x16: {  	s3 =	sld [smem:$0x3FDB];
	s0 =	simm.s32 @p2 $0x1  }
0x17: {  	s4 =	simm.s32 $0x1BF5;
	[smem:$0x3FBC] =	sst s0  }
0x18: {  	s0 =	sld [smem:$0x3F9F];
	_ =	swait.ge [sflag:s4], $0x0  }
0x19: {  	s7 =	sld [smem:$0x3FA0]  }
0x1a: {  	s8 =	sadd.s32 $0xFFFFE003, lr  }
0x1b: {  	s9 =	sadd.s32 $0xFFFFFEF7, lr;
	s5 =	simm.s32 $0xFFFFFFFF;
	p2 =	slt.u32 s8, $0xFFFFF086  }
0x1c: {  	p1 =	slt.u32 s9, $0xF7A;
	s5 =	simm.s32 @!p2 $0x0  }
0x1d: {  	s5 =	simm.s32 @p1 $0x1;
	p0 =	seq.s32 s7, s2  }
0x1e: {  	s7 =	smul.u32 @!p0 $0xF7A, s2;
	p2 =	seq.s32 @!p0 s5, $0x0  }
0x1f: {  	s9 =	smul.u32 $0xF7A, s1;
	s8 =	simm.s32 @!p0 $0x1BF5;
	p2 =	por !p2, p0  }
0x20: {  	[sflag:s8] =	ssyncset.s32 @!p0 $0xFFFFF086;
	s6 =	sadd.s32 @!p0 s3, s7;
	s7 =	simm.s32 @!p0 $0x108  }
0x21: {  	s3 =	sadd.s32 s3, s9;
	s6 =	sadd.s32 @!p0 $0x88, s6;
	s7 =	simm.s32 @p2 $0x1082  }
0x22: {  	[simem:s7], [sflag:s8] =	dma.local @!p0 [hbm:s6], $0xF7A  }
0x23: {  	s9 =	sor.u32 $0xD0000000, s2;
	s6 =	simm.s32 $0x108;
	_ =	swait.ge @!p0 [sflag:s8], $0x0  }
0x24: {  	s3 =	sadd.s32 $0x88, s3;
	s6 =	simm.s32 @!p1 $0x1082;
	[sflag:s4] =	ssyncset.s32 $0xFFFFF086  }
0x25: {  	[simem:s6], [sflag:s4] =	dma.local [hbm:s3], $0xF7A  }
0x26: {  	[smem:$0x3FA0] =	sst s1;
	(tag) =	ssettag s2;
	_ =	strace s9  }
0x27: {  	s1 =	sld [smem:$0x3FB0]  }
0x28: {  	s2 =	sld [smem:$0x3FB1]  }
0x29: {  	s4 =	sld [smem:$0x3FB3]  }
0x2a: {  	p0 =	seq.s32 s5, $0x0;
	s5 =	sld [smem:$0x3FB4]  }
0x2b: {  	s6 =	sld [smem:$0x3FB5]  }
0x2c: {  	s7 =	sld [smem:$0x3FB6]  }
0x2d: {  	s3 =	simm.s32 $0x108;
	s8 =	sld [smem:$0x3FB7]  }
0x2e: {  	s3 =	simm.s32 @!p0 $0x1082;
	s9 =	sld [smem:$0x3FB8]  }
0x2f: {  	lr =	sadd.s32 s0, s3;
	s0 =	sld [smem:$0x3FAF]  }
0x30: {  	s3 =	sld [smem:$0x3FB2]  }
0x31: {  	[smem:$0x3FBB] =	sst s10  }
0x32: {  	s10 =	sld [smem:$0x3FB9];
	_ =	sdelay $0x3  }
0x33: {  	p0 =	seq.s32 s10, $0x1;
	s10 =	sld [smem:$0x3FBB];
	_ =	sdelay $0x3  }
0x34: {  	[smem:$0x3FBB] =	sst s10  }
0x35: {  	s10 =	sld [smem:$0x3FBA];
	_ =	sdelay $0x3  }
0x36: {  	p1 =	seq.s32 s10, $0x1;
	s10 =	sld [smem:$0x3FBB];
	_ =	sdelay $0x3  }
0x37: {  	[smem:$0x3FBB] =	sst s10  }
0x38: {  	s10 =	sld [smem:$0x3FBC]  }
0x39: {  	_ = 	snop;
	(pc) =	sbr.ind lr, $3  }
0x3a: {  	_ = 	snop  }
0x3b: {  	_ = 	snop  }
0x3c: {  	p2 =	seq.s32 s10, $0x1;
	s10 =	sld [smem:$0x3FBB]  }
0x3d: {  	_ =	shalt  }
0x3e: {  	_ =	shalt  }
0x3f: {  	_ =	shalt  }
0x40: {  	_ =	shalt  }
0x41: {  	_ =	shalt  }
0x42: {  	_ =	shalt  }
0x43: {  	_ =	shalt  }
0x44: {  	_ =	shalt  }
0x45: {  	_ =	shalt  }
0x46: {  	_ =	shalt  }
0x47: {  	_ =	shalt  }
0x48: {  	_ =	shalt  }
0x49: {  	_ =	shalt  }
0x4a: {  	_ =	shalt  }
0x4b: {  	_ =	shalt  }
0x4c: {  	_ =	shalt  }
0x4d: {  	_ =	shalt  }
0x4e: {  	_ =	shalt  }
0x4f: {  	_ =	shalt  }
0x50: {  	_ =	shalt  }
0x51: {  	_ =	shalt  }
0x52: {  	_ =	shalt  }
0x53: {  	_ =	shalt  }
0x54: {  	_ =	shalt  }
0x55: {  	_ =	shalt  }
0x56: {  	_ =	shalt  }
0x57: {  	_ =	shalt  }
0x58: {  	_ =	shalt  }
0x59: {  	_ =	shalt  }
0x5a: {  	_ =	shalt  }
0x5b: {  	_ =	shalt  }
0x5c: {  	_ =	shalt  }
0x5d: {  	_ =	shalt  }
0x5e: {  	_ =	shalt  }
0x5f: {  	_ =	shalt  }
0x60: {  	_ =	shalt  }
0x61: {  	_ =	shalt  }
0x62: {  	_ =	shalt  }
0x63: {  	_ =	shalt  }
0x64: {  	_ =	shalt  }
0x65: {  	_ =	shalt  }
0x66: {  	_ =	shalt  }
0x67: {  	_ =	shalt  }
0x68: {  	_ =	shalt  }
0x69: {  	_ =	shalt  }
0x6a: {  	_ =	shalt  }
0x6b: {  	_ =	shalt  }
0x6c: {  	_ =	shalt  }
0x6d: {  	_ =	shalt  }
0x6e: {  	_ =	shalt  }
0x6f: {  	_ =	shalt  }
0x70: {  	_ =	shalt  }
0x71: {  	_ =	shalt  }
0x72: {  	_ =	shalt  }
0x73: {  	_ =	shalt  }
0x74: {  	_ =	shalt  }
0x75: {  	_ =	shalt  }
0x76: {  	_ =	shalt  }
0x77: {  	_ =	shalt  }
0x78: {  	_ =	shalt  }
0x79: {  	_ =	shalt  }
0x7a: {  	_ =	shalt  }
0x7b: {  	_ =	shalt  }
0x7c: {  	_ =	shalt  }
0x7d: {  	_ =	shalt  }
0x7e: {  	_ =	shalt  }
0x7f: {  	_ =	shalt  }
0x80: {  	_ =	shalt  }
0x81: {  	_ =	shalt  }
0x82: {  	_ =	shalt  }
0x83: {  	_ =	shalt  }
0x84: {  	_ =	shalt  }
0x85: {  	_ =	shalt  }
0x86: {  	_ =	shalt  }
0x87: {  	_ =	shalt  }
.Lfunc_end0:
.L_simem_size_0:
called_computation_lowered:
.L_overlay_start_0:
0x88: {  	s2 =	sld [smem:$0x3FD9]  }
0x89: {  	s3 =	sld [smem:$0x3FFE];
	_ =	sdelay $0x1  }
0x8a: {  	s1 =	srdreg.scid  }
0x8b: {  	s0 =	sand.u32 $0x1, s1  }
0x8c: {  	s18 =	sshll.u32 s0, $0xA;
	s2 =	sadd.s32 s3, s2  }
0x8d: {  	s2 =	sadd.s32 s2, s18  }
0x8e: {  	[smem:$0x3FC7] =	sst s2  }
0x8f: {  	_ = 	snop  }
0x90: {  	s2 =	sld [smem:$0x3FC9]  }
0x91: {  	s19 =	sld [smem:$0x3FD0];
	(tm) =	ssettm $0x1  }
0x92: {  	s4 =	sld [smem:$0x3FFB];
	_ =	sdelay $0x3  }
0x93: {  	_ =	strace s4  }
0x94: {  	s4 =	sld [smem:$0x3FFC];
	_ =	sdelay $0x3  }
0x95: {  	_ =	strace s4  }
0x96: {  	s4 =	sld [smem:$0x3FFD];
	_ =	sdelay $0x3  }
0x97: {  	_ =	strace s4  }
0x98: {  	_ =	strace $0x8FFFFFFF  }
0x99: {  	s20 =	sld [smem:$0x3FDB];
	_ =	sdelay $0x1  }
0x9a: {  	s5 =	simm.s32 $_scs_section_size  }
0x9b: {  	s6 =	simm.s32 $_size__tile_overlayer_lowered;
	s7 =	simm.s32 $_tile_overlayer_lowered  }
0x9c: {  	s23 =	simm.s32 $0x1BFF;
	s22 =	sshll.u32 s7, $0x1;
	s4 =	sadd.s32 s5, s20  }
0x9d: {  	s8 =	simm.s32 $0x0;
	s21 =	sshll.u32 s6, $0x1;
	s6 =	sadd.s32 s22, s4  }
0x9e: {  	[timem:s8], [sflag:s23] =	dma.local [hbm:s6], s21  }
0x9f: {  	_ =	swait.ge [sflag:s23], s21  }
0xa0: {  	s5 =	ssub.s32 $0x0, s21;
	[sflag:s23] =	ssyncset.done $0x0  }
0xa1: {  	[sflag:s23] =	ssyncadd.s32 s5;
	_ =	sdelay $0x1  }
0xa2: {  	s24 =	simm.s32 $0x1B8B  }
0xa3: {  	_ =	swait.ge [sflag:s24], $0x1  }
0xa4: {  	[sflag:s24] =	ssyncset.done $0x0  }
0xa5: {  	s25 =	simm.s32 $0x1B8E;
	[sflag:s24] =	ssyncadd.s32 $0xFFFFFFFF  }
0xa6: {  	s26 =	simm.s32 $execute0_lowered;
	[smem:$0x3FD2] =	sst s25  }
0xa7: {  	s5 =	sshll.u32 s26, $0x1;
	_ =	strace $0x80000046;
	[dreg:$0x1] =	wrdreg $0xFFFFFFFF  }
0xa8: {  	s28 =	simm.s32 $_size_execute0_lowered;
	s4 =	sadd.s32 s4, s5;
	[dreg:$0x0] =	wrdreg $0x0  }
0xa9: {  	s5 =	sshll.u32 s28, $0x1;
	[dreg:$0x2] =	wrdreg s4  }
0xaa: {  	[dreg:$0x3] =	wrdreg s5  }
0xab: {  	[dreg:$0x4] =	wrdreg $0xC0  }
0xac: {  	_ =	task [dreg:s8], $0x5FFFF  }
0xad: {  	[dreg:$0x1] =	wrdreg $0xFFFFFFFF  }
0xae: {  	[dreg:$0x0] =	wrdreg $0x60  }
0xaf: {  	[dreg:$0x2] =	wrdreg s2  }
0xb0: {  	[dreg:$0x3] =	wrdreg s19  }
0xb1: {  	[dreg:$0x4] =	wrdreg $0x9  }
0xb2: {  	_ =	task.clear_ibuf [dreg:s8], $0x5FFFF;
	_ =	strace $0x90000046  }
0xb3: {  	s29 =	simm.s32 $0x9;
	_ =	strace $0x80000048  }
0xb4: {  	_ =	swait.ge [sflag:s29], $0x1  }
0xb5: {  	[sflag:s29] =	ssyncadd.s32 $0xFFFFFFFF  }
0xb6: {  	_ =	strace $0x90000048  }
0xb7: {  	_ =	sfence  }
0xb8: {  	s30 =	sld [smem:$0x0];
	_ =	sdelay $0x2  }
0xb9: {  	s31 =	sshll.u32 s1, $0xD;
	s1 =	sshrl.u32 s1, $0x2  }
0xba: {  	s3 =	sand.u32 $0x4000, s31;
	s1 =	sadd.s32 s1, s30  }
0xbb: {  	s0 =	sor.u32 s3, s0;
	s1 =	sshll.u32 s1, $0x11  }
0xbc: {  	s0 =	sor.u32 s1, s0  }
0xbd: {  	s0 =	sadd.s32 $0x8F2B, s0  }
0xbe: {  	[sflag:s0] =	ssyncadd.remote.s32 $0x1  }
0xbf: {  	_ =	sfence.sel $0xFFFF  }
0xc0: {  	[dreg:$0x0] =	wrdreg $0xFFFFFFFF;
	(pc) =	sbr.abs _section_cstart, $3  }
0xc1: {  	[dreg:$0x1] =	wrdreg $0xFFFFFFFF  }
0xc2: {  	_ =	task.clear_ibuf [dreg:s8], $0x2FFFF;
	_ =	strace $0x9FFFFFFF  }
0xc3: {  	(tm) =	ssettm $0x7FFFFFFF  }
tec
execute0_lowered:
.L_overlay_start_1:
0x0: {  	(tag) =	ssettag $0x1  }
0x1: {  	s4 =	rddreg [dreg:$0x0]  }
0x2: {  	s0 =	srdreg.scid;
	s2 =	rddreg [dreg:$0x1]  }
0x3: {  	s1 =	stileid.u32;
	s3 =	simm.s32 $0x0;
	s9 =	simm.s32 $0x400  }
0x4: {  	s10 =	simm.s32 $0x20000;
	s11 =	simm.s32 $0x6600;
	s12 =	simm.s32 $0x2  }
0x5: {  	s13 =	simm.s32 $0x0;
	s5 =	sand.u32 $0x1, s0;
	s0 =	rddreg [dreg:$0x2]  }
.Ltmp0:
0x6: {  	s6 =	sshll.u32 s1, $0xA;
	s7 =	sshll.u32 s5, $0x9;
	(pc) =	sbr.rel .LBB2_1-.Ltmp0, $4  }
0x7: {  	v0 =	vlaneseq.u32;
	[smem:$0x7FF] =	sst s3;
	s5 =	ssub.s32 $0x2, s5;
	s6 =	sor.u32 s7, s6  }
0x8: {  	v1 =	vimm.f32 $0.0e+00;
	v2 =	vimm.f32 $1.000000000e+00;
	v3 =	vor.u32 $0x10, v0;
	_ =	strace $0x80000047;
	s31 =	sshrl.u32 s5, $0x1;
	s8 =	sshrl.u32 s6, $0x3  }
0x9: {  	v4 =	vor.u32 $0x20, v0;
	v5 =	vor.u32 $0x30, v0;
	v6 =	vor.u32 $0x40, v0;
	s7 =	ssub.s32 s5, s31;
	s5 =	sshrl.u32 s6, $0x7;
	s4 =	sadd.s32 s4, s8  }
0xa: {  	v7 =	vor.u32 $0x50, v0;
	v8 =	vor.u32 $0x60, v0;
	v9 =	vor.u32 $0x70, v0;
	s6 =	smax.u32 s7, $0x1;
	s7 =	simm.s32 $0x1;
	s8 =	simm.s32 $0x200  }
.LBB2_9:
0xb: {  	s13 =	sadd.s32 $0x1, s13  }
0xc: {  	_ =	swait.ge [sflag:s7], $0x6400;
	p0 =	sne.s32 s13, s6  }
.Ltmp1:
0xd: {  	[sflag:s7] =	ssyncset.done $0x0;
	(pc) =	sbr.rel @!p0 .LBB2_10-.Ltmp1, $4  }
0xe: {  	[sflag:s7] =	ssyncadd.s32 $0xFFFF9C00  }
0xf: {  	_ =	swait.ge [sflag:s12], $0x6400  }
0x10: {  	[sflag:s12] =	ssyncset.done $0x0  }
0x11: {  	[sflag:s12] =	ssyncadd.s32 $0xFFFF9C00  }
.LBB2_1:
0x12: {  	[tilespmem:s3], [sflag:$0x1] =	stream.linear.gather [hbm4b:s4+s3], $0x200, $0x38;
	[tilespmem:$0xCA00] =	vst v63  }
0x13: {  	s14 =	simm.s32 $0x0;
	s15 =	simm.s32 $0x200  }
.LBB2_2:
0x14: {  	p0 =	sne.s32 s15, $0x18E00;
	[tilespmem:s14+$0x6670] =	vst v1  }
0x15: {  	[tilespmem:s14+$0x200] =	vst v1  }
0x16: {  	[tilespmem:s14+$0x6600] =	vst v1  }
0x17: {  	[tilespmem:s14+$0x210] =	vst v1  }
0x18: {  	[tilespmem:s14+$0x6610] =	vst v1  }
0x19: {  	[tilespmem:s14+$0x220] =	vst v1  }
0x1a: {  	[tilespmem:s14+$0x6620] =	vst v1  }
0x1b: {  	[tilespmem:s14+$0x230] =	vst v1  }
0x1c: {  	[tilespmem:s14+$0x6630] =	vst v1  }
0x1d: {  	[tilespmem:s14+$0x240] =	vst v1  }
0x1e: {  	[tilespmem:s14+$0x6640] =	vst v1  }
.Ltmp2:
0x1f: {  	[tilespmem:s14+$0x250] =	vst v1;
	(pc) =	sbr.rel @p0 .LBB2_2-.Ltmp2, $4  }
0x20: {  	[tilespmem:s14+$0x6650] =	vst v1  }
0x21: {  	[tilespmem:s14+$0x260] =	vst v1  }
0x22: {  	[tilespmem:s14+$0x6660] =	vst v1  }
0x23: {  	[tilespmem:s14+$0x270] =	vst v1;
	s14 =	sshra.s32 s15, $0x2;
	s15 =	sadd.s32 $0x200, s15  }
0x24: {  	[tilespmem:s14+$0x6670] =	vst v1  }
0x25: {  	[tilespmem:s14+$0x200] =	vst v1  }
0x26: {  	[tilespmem:s14+$0x6600] =	vst v1  }
0x27: {  	[tilespmem:s14+$0x210] =	vst v1  }
0x28: {  	[tilespmem:s14+$0x6610] =	vst v1  }
0x29: {  	[tilespmem:s14+$0x220] =	vst v1  }
0x2a: {  	[tilespmem:s14+$0x6620] =	vst v1  }
0x2b: {  	[tilespmem:s14+$0x230] =	vst v1  }
0x2c: {  	[tilespmem:s14+$0x6630] =	vst v1  }
0x2d: {  	[tilespmem:s14+$0x240] =	vst v1  }
0x2e: {  	[tilespmem:s14+$0x6640] =	vst v1  }
0x2f: {  	[tilespmem:s14+$0x250] =	vst v1  }
0x30: {  	[tilespmem:s14+$0x6650] =	vst v1  }
0x31: {  	[tilespmem:s14+$0x260] =	vst v1  }
.Ltmp3:
0x32: {  	[tilespmem:s14+$0x6660] =	vst v1;
	(pc) =	sbr.rel .LBB2_4-.Ltmp3, $4  }
0x33: {  	[tilespmem:s14+$0x270] =	vst v1  }
0x34: {  	_ =	swait.ge [sflag:s7], $0x200  }
0x35: {  	[sflag:s7] =	ssyncset.done $0x0  }
0x36: {  	s14 =	simm.s32 $0x0;
	[sflag:s7] =	ssyncadd.s32 $0xFFFFFE00  }
.LBB2_8:
0x37: {  	s16 =	sor.u32 $0x1, s14  }
0x38: {  	s15 =	sand.u32 $0xFF, s16  }
0x39: {  	s15 =	smul.u32 $0xCD, s15;
	_ =	sdelay $0x1  }
0x3a: {  	s15 =	sshrl.u32 s15, $0xA  }
0x3b: {  	s17 =	smul.u32 $0x5, s15  }
0x3c: {  	s18 =	sshll.u32 s15, $0x7  }
0x3d: {  	v10 =	vld [tilespmem:s18+$0x0];
	s16 =	ssub.s32 s16, s17  }
0x3e: {  	s16 =	sand.u32 $0xFF, s16  }
0x3f: {  	s31 =	smul.u32 $0xC8, s16;
	_ =	sdelay $0x1  }
0x40: {  	v11 =	vmov s31  }
0x41: {  	v10 =	vsub.s32 v10, v11  }
0x42: {  	v12 =	vshll.u32 v10, $0x7  }
0x43: {  	vm0 =	vlt.u32 v10, $0xC8;
	v10 =	vor.u32 v0, v12  }
0x44: {  	v10 =	vsel vm0, v10, v0;
	_ =	sdelay $0x4  }
0x45: {  	[tilespmem:v10+s11+$0x0] =	vst.idx.msk vm0, v2  }
0x46: {  	v10 =	vld [tilespmem:s18+$0x10];
	_ =	sdelay $0x4  }
0x47: {  	v10 =	vsub.s32 v10, v11  }
0x48: {  	v58 =	vshll.u32 v10, $0x7  }
0x49: {  	vm9 =	vlt.u32 v10, $0xC8;
	v10 =	vor.u32 v3, v58  }
0x4a: {  	v10 =	vsel vm9, v10, v3;
	_ =	sdelay $0x4  }
0x4b: {  	[tilespmem:v10+s11+$0x0] =	vst.idx.msk vm9, v2  }
0x4c: {  	v10 =	vld [tilespmem:s18+$0x20];
	_ =	sdelay $0x4  }
0x4d: {  	v10 =	vsub.s32 v10, v11  }
0x4e: {  	v59 =	vshll.u32 v10, $0x7  }
0x4f: {  	vm10 =	vlt.u32 v10, $0xC8;
	v10 =	vor.u32 v4, v59  }
0x50: {  	v10 =	vsel vm10, v10, v4;
	_ =	sdelay $0x4  }
0x51: {  	[tilespmem:v10+s11+$0x0] =	vst.idx.msk vm10, v2  }
0x52: {  	v10 =	vld [tilespmem:s18+$0x30];
	_ =	sdelay $0x4  }
0x53: {  	v10 =	vsub.s32 v10, v11  }
0x54: {  	v60 =	vshll.u32 v10, $0x7  }
0x55: {  	vm11 =	vlt.u32 v10, $0xC8;
	v10 =	vor.u32 v5, v60  }
0x56: {  	v10 =	vsel vm11, v10, v5;
	_ =	sdelay $0x4  }
0x57: {  	[tilespmem:v10+s11+$0x0] =	vst.idx.msk vm11, v2  }
0x58: {  	v10 =	vld [tilespmem:s18+$0x40];
	_ =	sdelay $0x4  }
0x59: {  	v10 =	vsub.s32 v10, v11  }
0x5a: {  	v61 =	vshll.u32 v10, $0x7  }
0x5b: {  	vm12 =	vlt.u32 v10, $0xC8;
	v10 =	vor.u32 v6, v61  }
0x5c: {  	v10 =	vsel vm12, v10, v6;
	_ =	sdelay $0x4  }
0x5d: {  	[tilespmem:v10+s11+$0x0] =	vst.idx.msk vm12, v2  }
0x5e: {  	v10 =	vld [tilespmem:s18+$0x50];
	_ =	sdelay $0x4  }
0x5f: {  	v10 =	vsub.s32 v10, v11  }
0x60: {  	v62 =	vshll.u32 v10, $0x7  }
0x61: {  	vm13 =	vlt.u32 v10, $0xC8;
	v10 =	vor.u32 v7, v62  }
0x62: {  	v10 =	vsel vm13, v10, v7;
	_ =	sdelay $0x4  }
0x63: {  	[tilespmem:v10+s11+$0x0] =	vst.idx.msk vm13, v2  }
0x64: {  	v10 =	vld [tilespmem:s18+$0x60];
	_ =	sdelay $0x4  }
0x65: {  	v10 =	vsub.s32 v10, v11  }
0x66: {  	v63 =	vshll.u32 v10, $0x7  }
0x67: {  	vm14 =	vlt.u32 v10, $0xC8;
	v10 =	vor.u32 v8, v63  }
0x68: {  	v10 =	vsel vm14, v10, v8;
	_ =	sdelay $0x4  }
0x69: {  	[tilespmem:v10+s11+$0x0] =	vst.idx.msk vm14, v2  }
0x6a: {  	v10 =	vld [tilespmem:s18+$0x70];
	_ =	sdelay $0x4  }
0x6b: {  	v10 =	vsub.s32 v10, v11  }
0x6c: {  	v11 =	vshll.u32 v10, $0x7  }
0x6d: {  	vm15 =	vlt.u32 v10, $0xC8;
	v10 =	vor.u32 v9, v11  }
0x6e: {  	s14 =	sadd.s32 $0x2, s14;
	v10 =	vsel vm15, v10, v9  }
0x6f: {  	p0 =	sne.s32 s14, $0x14;
	s15 =	sadd.s32 s15, s5;
	s16 =	smul.u32 $0x320000, s16  }
.Ltmp4:
0x70: {  	s15 =	sshll.u32 s15, $0xA;
	(pc) =	sbr.rel @!p0 .LBB2_9-.Ltmp4, $4  }
0x71: {  	s15 =	sadd.s32 s16, s15  }
0x72: {  	s15 =	sshrl.u32 s15, $0x3  }
0x73: {  	s15 =	sadd.s32 s2, s15;
	[tilespmem:v10+s11+$0x0] =	vst.idx.msk vm15, v2  }
0x74: {  	[hbm4b:s15+s9] =	stream.strided.scatter [tilespmem:s11], [sflag:$0x2], $0x6400, s10, s9, $0x38;
	[tilespmem:$0xCA00] =	vst v63  }
.LBB2_4:
0x75: {  	p0 =	seq.s32 s14, $0x0  }
.Ltmp5:
0x76: {  	_ = 	snop;
	(pc) =	sbr.rel @p0 .LBB2_6-.Ltmp5, $1  }
0x77: {  	_ =	sdelay $0x3  }
0x78: {  	s15 =	sadd.s32 $0xFFFFFFFE, s14  }
0x79: {  	s16 =	sshll.u32 s15, $0x18  }
0x7a: {  	s16 =	sshra.s32 s16, $0x18  }
0x7b: {  	s16 =	smul.u32 $0x67, s16;
	_ =	sdelay $0x1  }
0x7c: {  	s17 =	sshrl.u32 s16, $0x1F;
	s16 =	sshra.s32 s16, $0x9  }
0x7d: {  	s16 =	sadd.s32 s17, s16  }
0x7e: {  	s17 =	smul.u32 $0xFFFFFFFB, s16;
	_ =	sdelay $0x1  }
0x7f: {  	s15 =	sadd.s32 s15, s17  }
0x80: {  	s17 =	sand.u32 $0xFF, s15  }
0x81: {  	p1 =	seq.s32 s14, $0x2;
	p2 =	sne.s32 s17, $0x0  }
0x82: {  	p1 =	por !p1, !p2  }
0x83: {  	s17 =	simm.s32 $0x1;
	p1 =	por !p1, !p1  }
0x84: {  	s17 =	simm.s32 @!p1 $0x0  }
0x85: {  	_ =	swait.ge [sflag:s7], $0x6400;
	s16 =	ssub.s32 s16, s17  }
0x86: {  	[sflag:s7] =	ssyncset.done $0x0;
	s15 =	sshll.u32 s15, $0x18;
	s16 =	sshll.u32 s16, $0x9  }
0x87: {  	[sflag:s7] =	ssyncadd.s32 $0xFFFF9C00;
	s15 =	sshra.s32 s15, $0x18;
	s16 =	sshra.s32 s16, $0x2  }
0x88: {  	p1 =	slt.s32 s15, $0x0;
	s17 =	sadd.s32 $0x5, s15;
	v10 =	vld [tilespmem:s16+$0x0]  }
0x89: {  	s15 =	smov.u32 @p1 s17  }
0x8a: {  	s15 =	smul.u32 $0xC8, s15;
	_ =	sdelay $0x1  }
0x8b: {  	v11 =	vmov s15  }
0x8c: {  	v10 =	vsub.s32 v10, v11  }
0x8d: {  	v12 =	vshll.u32 v10, $0x7  }
0x8e: {  	vm0 =	vlt.u32 v10, $0xC8;
	v10 =	vor.u32 v0, v12  }
0x8f: {  	v10 =	vsel vm0, v10, v0;
	_ =	sdelay $0x4  }
0x90: {  	[tilespmem:v10+s8+$0x0] =	vst.idx.msk vm0, v1  }
0x91: {  	v10 =	vld [tilespmem:s16+$0x10];
	_ =	sdelay $0x4  }
0x92: {  	v10 =	vsub.s32 v10, v11  }
0x93: {  	v58 =	vshll.u32 v10, $0x7  }
0x94: {  	vm9 =	vlt.u32 v10, $0xC8;
	v10 =	vor.u32 v3, v58  }
0x95: {  	v10 =	vsel vm9, v10, v3;
	_ =	sdelay $0x4  }
0x96: {  	[tilespmem:v10+s8+$0x0] =	vst.idx.msk vm9, v1  }
0x97: {  	v10 =	vld [tilespmem:s16+$0x20];
	_ =	sdelay $0x4  }
0x98: {  	v10 =	vsub.s32 v10, v11  }
0x99: {  	v59 =	vshll.u32 v10, $0x7  }
0x9a: {  	vm10 =	vlt.u32 v10, $0xC8;
	v10 =	vor.u32 v4, v59  }
0x9b: {  	v10 =	vsel vm10, v10, v4;
	_ =	sdelay $0x4  }
0x9c: {  	[tilespmem:v10+s8+$0x0] =	vst.idx.msk vm10, v1  }
0x9d: {  	v10 =	vld [tilespmem:s16+$0x30];
	_ =	sdelay $0x4  }
0x9e: {  	v10 =	vsub.s32 v10, v11  }
0x9f: {  	v60 =	vshll.u32 v10, $0x7  }
0xa0: {  	vm11 =	vlt.u32 v10, $0xC8;
	v10 =	vor.u32 v5, v60  }
0xa1: {  	v10 =	vsel vm11, v10, v5;
	_ =	sdelay $0x4  }
0xa2: {  	[tilespmem:v10+s8+$0x0] =	vst.idx.msk vm11, v1  }
0xa3: {  	v10 =	vld [tilespmem:s16+$0x40];
	_ =	sdelay $0x4  }
0xa4: {  	v10 =	vsub.s32 v10, v11  }
0xa5: {  	v61 =	vshll.u32 v10, $0x7  }
0xa6: {  	vm12 =	vlt.u32 v10, $0xC8;
	v10 =	vor.u32 v6, v61  }
0xa7: {  	v10 =	vsel vm12, v10, v6;
	_ =	sdelay $0x4  }
0xa8: {  	[tilespmem:v10+s8+$0x0] =	vst.idx.msk vm12, v1  }
0xa9: {  	v10 =	vld [tilespmem:s16+$0x50];
	_ =	sdelay $0x4  }
0xaa: {  	v10 =	vsub.s32 v10, v11  }
0xab: {  	v62 =	vshll.u32 v10, $0x7  }
0xac: {  	vm13 =	vlt.u32 v10, $0xC8;
	v10 =	vor.u32 v7, v62  }
0xad: {  	v10 =	vsel vm13, v10, v7;
	_ =	sdelay $0x4  }
0xae: {  	[tilespmem:v10+s8+$0x0] =	vst.idx.msk vm13, v1  }
0xaf: {  	v10 =	vld [tilespmem:s16+$0x60];
	_ =	sdelay $0x4  }
0xb0: {  	v10 =	vsub.s32 v10, v11  }
0xb1: {  	v63 =	vshll.u32 v10, $0x7  }
0xb2: {  	vm14 =	vlt.u32 v10, $0xC8;
	v10 =	vor.u32 v8, v63  }
0xb3: {  	v10 =	vsel vm14, v10, v8;
	_ =	sdelay $0x4  }
0xb4: {  	[tilespmem:v10+s8+$0x0] =	vst.idx.msk vm14, v1  }
0xb5: {  	v10 =	vld [tilespmem:s16+$0x70];
	_ =	sdelay $0x4  }
0xb6: {  	v10 =	vsub.s32 v10, v11  }
0xb7: {  	v11 =	vshll.u32 v10, $0x7  }
0xb8: {  	vm15 =	vlt.u32 v10, $0xC8;
	v10 =	vor.u32 v9, v11  }
0xb9: {  	v10 =	vsel vm15, v10, v9;
	_ =	sdelay $0x4  }
0xba: {  	[tilespmem:v10+s8+$0x0] =	vst.idx.msk vm15, v1  }
.LBB2_6:
0xbb: {  	s15 =	sand.u32 $0xFF, s14  }
0xbc: {  	s15 =	smul.u32 $0xCD, s15;
	_ =	sdelay $0x1  }
0xbd: {  	s15 =	sshrl.u32 s15, $0xA  }
0xbe: {  	s16 =	smul.u32 $0x5, s15  }
0xbf: {  	s17 =	sshll.u32 s15, $0x7  }
0xc0: {  	v10 =	vld [tilespmem:s17+$0x0];
	s16 =	ssub.s32 s14, s16  }
0xc1: {  	s16 =	sand.u32 $0xFF, s16  }
0xc2: {  	s18 =	smul.u32 $0xC8, s16;
	_ =	sdelay $0x1  }
0xc3: {  	v11 =	vmov s18  }
0xc4: {  	v10 =	vsub.s32 v10, v11  }
0xc5: {  	v12 =	vshll.u32 v10, $0x7  }
0xc6: {  	vm0 =	vlt.u32 v10, $0xC8;
	v10 =	vor.u32 v0, v12  }
0xc7: {  	v10 =	vsel vm0, v10, v0;
	_ =	sdelay $0x4  }
0xc8: {  	[tilespmem:v10+s8+$0x0] =	vst.idx.msk vm0, v2  }
0xc9: {  	v10 =	vld [tilespmem:s17+$0x10];
	_ =	sdelay $0x4  }
0xca: {  	v10 =	vsub.s32 v10, v11  }
0xcb: {  	v58 =	vshll.u32 v10, $0x7  }
0xcc: {  	vm9 =	vlt.u32 v10, $0xC8;
	v10 =	vor.u32 v3, v58  }
0xcd: {  	v10 =	vsel vm9, v10, v3;
	_ =	sdelay $0x4  }
0xce: {  	[tilespmem:v10+s8+$0x0] =	vst.idx.msk vm9, v2  }
0xcf: {  	v10 =	vld [tilespmem:s17+$0x20];
	_ =	sdelay $0x4  }
0xd0: {  	v10 =	vsub.s32 v10, v11  }
0xd1: {  	v59 =	vshll.u32 v10, $0x7  }
0xd2: {  	vm10 =	vlt.u32 v10, $0xC8;
	v10 =	vor.u32 v4, v59  }
0xd3: {  	v10 =	vsel vm10, v10, v4;
	_ =	sdelay $0x4  }
0xd4: {  	[tilespmem:v10+s8+$0x0] =	vst.idx.msk vm10, v2  }
0xd5: {  	v10 =	vld [tilespmem:s17+$0x30];
	_ =	sdelay $0x4  }
0xd6: {  	v10 =	vsub.s32 v10, v11  }
0xd7: {  	v60 =	vshll.u32 v10, $0x7  }
0xd8: {  	vm11 =	vlt.u32 v10, $0xC8;
	v10 =	vor.u32 v5, v60  }
0xd9: {  	v10 =	vsel vm11, v10, v5;
	_ =	sdelay $0x4  }
0xda: {  	[tilespmem:v10+s8+$0x0] =	vst.idx.msk vm11, v2  }
0xdb: {  	v10 =	vld [tilespmem:s17+$0x40];
	_ =	sdelay $0x4  }
0xdc: {  	v10 =	vsub.s32 v10, v11  }
0xdd: {  	v61 =	vshll.u32 v10, $0x7  }
0xde: {  	vm12 =	vlt.u32 v10, $0xC8;
	v10 =	vor.u32 v6, v61  }
0xdf: {  	v10 =	vsel vm12, v10, v6;
	_ =	sdelay $0x4  }
0xe0: {  	[tilespmem:v10+s8+$0x0] =	vst.idx.msk vm12, v2  }
0xe1: {  	v10 =	vld [tilespmem:s17+$0x50];
	_ =	sdelay $0x4  }
0xe2: {  	v10 =	vsub.s32 v10, v11  }
0xe3: {  	v62 =	vshll.u32 v10, $0x7  }
0xe4: {  	vm13 =	vlt.u32 v10, $0xC8;
	v10 =	vor.u32 v7, v62  }
0xe5: {  	v10 =	vsel vm13, v10, v7;
	_ =	sdelay $0x4  }
0xe6: {  	[tilespmem:v10+s8+$0x0] =	vst.idx.msk vm13, v2  }
0xe7: {  	v10 =	vld [tilespmem:s17+$0x60];
	_ =	sdelay $0x4  }
0xe8: {  	v10 =	vsub.s32 v10, v11  }
0xe9: {  	v63 =	vshll.u32 v10, $0x7  }
0xea: {  	vm14 =	vlt.u32 v10, $0xC8;
	v10 =	vor.u32 v8, v63  }
0xeb: {  	v10 =	vsel vm14, v10, v8;
	_ =	sdelay $0x4  }
0xec: {  	[tilespmem:v10+s8+$0x0] =	vst.idx.msk vm14, v2  }
0xed: {  	v10 =	vld [tilespmem:s17+$0x70];
	_ =	sdelay $0x4  }
0xee: {  	v10 =	vsub.s32 v10, v11  }
0xef: {  	v11 =	vshll.u32 v10, $0x7  }
0xf0: {  	vm15 =	vlt.u32 v10, $0xC8;
	v10 =	vor.u32 v9, v11  }
0xf1: {  	v10 =	vsel vm15, v10, v9  }
0xf2: {  	s15 =	sadd.s32 s15, s5;
	s16 =	smul.u32 $0x320000, s16  }
.Ltmp6:
0xf3: {  	s15 =	sshll.u32 s15, $0xA;
	(pc) =	sbr.rel @p0 .LBB2_8-.Ltmp6, $4  }
0xf4: {  	s15 =	sadd.s32 s16, s15  }
0xf5: {  	s15 =	sshrl.u32 s15, $0x3  }
0xf6: {  	s15 =	sadd.s32 s2, s15;
	[tilespmem:v10+s8+$0x0] =	vst.idx.msk vm15, v2  }
0xf7: {  	[hbm4b:s15+s9] =	stream.strided.scatter [tilespmem:s8], [sflag:$0x1], $0x6400, s10, s9, $0x38;
	[tilespmem:$0xCA00] =	vst v63  }
0xf8: {  	s15 =	sadd.s32 $0xFFFFFFFF, s14  }
0xf9: {  	s16 =	sshll.u32 s15, $0x18  }
0xfa: {  	s16 =	sshra.s32 s16, $0x18  }
0xfb: {  	s16 =	smul.u32 $0x67, s16;
	_ =	sdelay $0x1  }
0xfc: {  	s17 =	sshrl.u32 s16, $0x1F;
	s16 =	sshra.s32 s16, $0x9  }
0xfd: {  	s16 =	sadd.s32 s17, s16  }
0xfe: {  	s17 =	smul.u32 $0xFFFFFFFB, s16;
	_ =	sdelay $0x1  }
0xff: {  	_ =	swait.ge [sflag:s12], $0x6400;
	s15 =	sadd.s32 s15, s17  }
0x100: {  	[sflag:s12] =	ssyncset.done $0x0;
	s16 =	sshll.u32 s16, $0x7;
	s15 =	sshll.u32 s15, $0x18  }
0x101: {  	[sflag:s12] =	ssyncadd.s32 $0xFFFF9C00;
	s16 =	sand.u32 $0x3FFFFF80, s16;
	s15 =	sshra.s32 s15, $0x18  }
0x102: {  	v10 =	vld [tilespmem:s16+$0x0];
	p0 =	slt.s32 s15, $0x0;
	s17 =	sadd.s32 $0x5, s15  }
0x103: {  	s15 =	smov.u32 @p0 s17  }
0x104: {  	s15 =	smul.u32 $0xC8, s15;
	_ =	sdelay $0x1  }
0x105: {  	v11 =	vmov s15  }
0x106: {  	v10 =	vsub.s32 v10, v11  }
0x107: {  	v12 =	vshll.u32 v10, $0x7  }
0x108: {  	vm0 =	vlt.u32 v10, $0xC8;
	v10 =	vor.u32 v0, v12  }
0x109: {  	v10 =	vsel vm0, v10, v0;
	_ =	sdelay $0x4  }
0x10a: {  	[tilespmem:v10+s11+$0x0] =	vst.idx.msk vm0, v1  }
0x10b: {  	v10 =	vld [tilespmem:s16+$0x10];
	_ =	sdelay $0x4  }
0x10c: {  	v10 =	vsub.s32 v10, v11  }
0x10d: {  	v58 =	vshll.u32 v10, $0x7  }
0x10e: {  	vm9 =	vlt.u32 v10, $0xC8;
	v10 =	vor.u32 v3, v58  }
0x10f: {  	v10 =	vsel vm9, v10, v3;
	_ =	sdelay $0x4  }
0x110: {  	[tilespmem:v10+s11+$0x0] =	vst.idx.msk vm9, v1  }
0x111: {  	v10 =	vld [tilespmem:s16+$0x20];
	_ =	sdelay $0x4  }
0x112: {  	v10 =	vsub.s32 v10, v11  }
0x113: {  	v59 =	vshll.u32 v10, $0x7  }
0x114: {  	vm10 =	vlt.u32 v10, $0xC8;
	v10 =	vor.u32 v4, v59  }
0x115: {  	v10 =	vsel vm10, v10, v4;
	_ =	sdelay $0x4  }
0x116: {  	[tilespmem:v10+s11+$0x0] =	vst.idx.msk vm10, v1  }
0x117: {  	v10 =	vld [tilespmem:s16+$0x30];
	_ =	sdelay $0x4  }
0x118: {  	v10 =	vsub.s32 v10, v11  }
0x119: {  	v60 =	vshll.u32 v10, $0x7  }
0x11a: {  	vm11 =	vlt.u32 v10, $0xC8;
	v10 =	vor.u32 v5, v60  }
0x11b: {  	v10 =	vsel vm11, v10, v5;
	_ =	sdelay $0x4  }
0x11c: {  	[tilespmem:v10+s11+$0x0] =	vst.idx.msk vm11, v1  }
0x11d: {  	v10 =	vld [tilespmem:s16+$0x40];
	_ =	sdelay $0x4  }
0x11e: {  	v10 =	vsub.s32 v10, v11  }
0x11f: {  	v61 =	vshll.u32 v10, $0x7  }
0x120: {  	vm12 =	vlt.u32 v10, $0xC8;
	v10 =	vor.u32 v6, v61  }
0x121: {  	v10 =	vsel vm12, v10, v6;
	_ =	sdelay $0x4  }
0x122: {  	[tilespmem:v10+s11+$0x0] =	vst.idx.msk vm12, v1  }
0x123: {  	v10 =	vld [tilespmem:s16+$0x50];
	_ =	sdelay $0x4  }
0x124: {  	v10 =	vsub.s32 v10, v11  }
0x125: {  	v62 =	vshll.u32 v10, $0x7  }
0x126: {  	vm13 =	vlt.u32 v10, $0xC8;
	v10 =	vor.u32 v7, v62  }
0x127: {  	v10 =	vsel vm13, v10, v7;
	_ =	sdelay $0x4  }
0x128: {  	[tilespmem:v10+s11+$0x0] =	vst.idx.msk vm13, v1  }
0x129: {  	v10 =	vld [tilespmem:s16+$0x60];
	_ =	sdelay $0x4  }
0x12a: {  	v10 =	vsub.s32 v10, v11  }
0x12b: {  	v63 =	vshll.u32 v10, $0x7  }
0x12c: {  	vm14 =	vlt.u32 v10, $0xC8;
	v10 =	vor.u32 v8, v63  }
0x12d: {  	v10 =	vsel vm14, v10, v8;
	_ =	sdelay $0x4  }
0x12e: {  	[tilespmem:v10+s11+$0x0] =	vst.idx.msk vm14, v1  }
0x12f: {  	v10 =	vld [tilespmem:s16+$0x70];
	_ =	sdelay $0x4  }
0x130: {  	v10 =	vsub.s32 v10, v11  }
0x131: {  	v11 =	vshll.u32 v10, $0x7  }
0x132: {  	vm15 =	vlt.u32 v10, $0xC8;
	v10 =	vor.u32 v9, v11  }
0x133: {  	v10 =	vsel vm15, v10, v9  }
.Ltmp7:
0x134: {  	_ = 	snop;
	(pc) =	sbr.rel .LBB2_8-.Ltmp7, $2  }
0x135: {  	_ =	sdelay $0x2  }
0x136: {  	[tilespmem:v10+s11+$0x0] =	vst.idx.msk vm15, v1  }
.LBB2_10:
0x137: {  	_ =	sfence.sel $0x180000  }
0x138: {  	[bflag:$0x0] =	sbarrier.arrive $0xFFFF  }
0x139: {  	p0 =	sne.s32 s1, $0x0;
	_ =	strace $0x90000047  }
0x13a: {  	s0 =	sadd.s32 @!p0 $0x100000, s0;
	[bflag:$0x2] =	sbarrier.arrive $0xFFFF  }
0x13b: {  	[sflag:s0] =	ssyncadd.tile.s32 @!p0 $0x1;
	_ =	shalt  }
.Lfunc_end2:
_tile_overlayer_lowered:
.L_overlay_start_2:
0x13c: {  	(tag) =	ssettag $0x2  }
0x13d: {  	s0 =	rddreg [dreg:$0x0];
	s2 =	stileid.u32  }
0x13e: {  	s1 =	rddreg [dreg:$0x1];
	p0 =	sne.s32 s2, $0x0  }
0x13f: {  	s3 =	rddreg [dreg:$0x2];
	[bflag:$0x3] =	sbarrier.arrive $0xFFFF;
	s2 =	simm.s32 @!p0 $0x1C03  }
0x140: {  	[timem:s3], [sflag:s2] =	dma.local @!p0 [hbm:s0], s1  }
0x141: {  	s0 =	simm.s32 @!p0 $0x3  }
0x142: {  	_ =	swait.ge @!p0 [sflag:s0], s1  }
0x143: {  	s1 =	ssub.s32 @!p0 $0x0, s1;
	[sflag:s0] =	ssyncset.done @!p0 $0x0  }
0x144: {  	[sflag:s0] =	ssyncadd.s32 @!p0 s1  }
0x145: {  	[bflag:$0x3] =	sbarrier.arrive $0xFFFF  }
0x146: {  	_ =	shalt  }

</sc_bundles>
